<compile_context>
chip_gen: v7x
topology: tpu7x:2x2x1
jax: 0.10.2.dev20260603
libtpu: 0.0.44.dev20260713+nightly
codegen_flags: <defaults>
</compile_context>

<pallas_src>
import functools

import jax
import jax.numpy as jnp
from jax import lax
from jax.experimental import pallas as pl
from jax.experimental.pallas import tpu as pltpu
from jax.experimental.pallas import tpu_sc as plsc

D = 32
NC = 2
NS = 16
NW = NC * NS
CHUNK = 128
GROUP = 10
B = 16384 * 50
IDX_ROWS = B // CHUNK
ROWS_PER_W = IDX_ROWS // NW
NGROUPS = ROWS_PER_W // GROUP
NPAIRS = NGROUPS // 2


def _body(idx_hbm, table_hbm, out_hbm, idx_v0, idx_v1, rows_v0, rows_v1,
          sem_i0, sem_i1, sem_g0, sem_g1, sem_o0, sem_o1):
    wid = lax.axis_index("s") * NC + lax.axis_index("c")
    row0 = wid * ROWS_PER_W

    def idx_slice(g):
        return idx_hbm.at[pl.ds(row0 + g * GROUP, GROUP)]

    def out_slice(g):
        return out_hbm.at[pl.ds((row0 + g * GROUP) * CHUNK, GROUP * CHUNK)]

    def fire_gathers(idx_v, rows_v, sem):
        for j in range(GROUP):
            pltpu.async_copy(
                table_hbm.at[idx_v.at[j]],
                rows_v.at[pl.ds(j * CHUNK, CHUNK)],
                sem,
            )

    def drain_gathers(idx_v, rows_v, sem):
        for j in range(GROUP):
            pltpu.make_async_copy(
                table_hbm.at[idx_v.at[j]],
                rows_v.at[pl.ds(j * CHUNK, CHUNK)],
                sem,
            ).wait()

    def drain_out(rows_v, sem):
        pltpu.make_async_copy(out_slice(0), rows_v, sem).wait()

    def drain_idx(g, idx_v, sem):
        pltpu.make_async_copy(idx_slice(g), idx_v, sem).wait()

    bufs = ((idx_v0, rows_v0, sem_i0, sem_g0, sem_o0),
            (idx_v1, rows_v1, sem_i1, sem_g1, sem_o1))

    pltpu.async_copy(idx_slice(0), idx_v0, sem_i0)
    pltpu.async_copy(idx_slice(1), idx_v1, sem_i1)
    drain_idx(0, idx_v0, sem_i0)
    fire_gathers(idx_v0, rows_v0, sem_g0)

    def pair(p, carry):
        not_last = p + 1 < NPAIRS
        for parity in range(2):
            g = 2 * p + parity
            idx_c, rows_c, sem_ic, sem_gc, sem_oc = bufs[parity]
            idx_n, rows_n, sem_in, sem_gn, sem_on = bufs[parity ^ 1]

            if parity == 0:
                drain_idx(g + 1, idx_n, sem_in)
            else:
                @pl.when(not_last)
                def _():
                    drain_idx(g + 1, idx_n, sem_in)

            drain_gathers(idx_c, rows_c, sem_gc)

            @pl.when(g > 0)
            def _():
                drain_out(rows_n, sem_on)

            if parity == 0:
                fire_gathers(idx_n, rows_n, sem_gn)
            else:
                @pl.when(not_last)
                def _():
                    fire_gathers(idx_n, rows_n, sem_gn)

            pltpu.async_copy(rows_c, out_slice(g), sem_oc)

            @pl.when(g + 2 < NGROUPS)
            def _():
                pltpu.async_copy(idx_slice(g + 2), idx_c, sem_ic)
        return carry

    lax.fori_loop(0, NPAIRS, pair, 0)

    drain_out(rows_v1, sem_o1)


@jax.jit
def _lookup(idx2d, weight):
    mesh = plsc.VectorSubcoreMesh(
        core_axis_name="c", subcore_axis_name="s", num_cores=NC, num_subcores=NS
    )
    f = pl.kernel(
        _body,
        out_type=jax.ShapeDtypeStruct((B, D), jnp.float32),
        mesh=mesh,
        scratch_types=[
            pltpu.VMEM((GROUP, CHUNK), jnp.int32),
            pltpu.VMEM((GROUP, CHUNK), jnp.int32),
            pltpu.VMEM((GROUP * CHUNK, D), jnp.float32),
            pltpu.VMEM((GROUP * CHUNK, D), jnp.float32),
            pltpu.SemaphoreType.DMA,
            pltpu.SemaphoreType.DMA,
            pltpu.SemaphoreType.DMA,
            pltpu.SemaphoreType.DMA,
            pltpu.SemaphoreType.DMA,
            pltpu.SemaphoreType.DMA,
        ],
        compiler_params=pltpu.CompilerParams(use_tc_tiling_on_sc=False),
    )
    return f(idx2d, weight)


def kernel(token_ids, weight):
    s0, s1 = token_ids.shape
    idx2d = token_ids.astype(jnp.int32).reshape(IDX_ROWS, CHUNK)
    out = _lookup(idx2d, weight)
    return out.reshape(s0, s1, D)

# --- scband reference (transcript-rebuilt; emitter-appended) ---
"""Pipeline reference for scband-embedding-1563368096581 (READ-ONLY COPY).

The authoritative reference and input builder live on the scoring server;
editing this copy changes nothing except your own understanding.
"""

import jax, jax.numpy as jnp
import numpy as np

NUM_EMBEDDINGS = 1000000
EMBEDDING_DIM = 32

def setup_inputs(seed: int = 0) -> dict:
    key = jax.random.key(seed)
    k1, k2 = jax.random.split(key)
    token_ids = jax.random.randint(k1, (16384, 50), 0, NUM_EMBEDDINGS, dtype=jnp.int64 if jax.config.jax_enable_x64 else jnp.int32)
    # trunc_normal init approximated with clipped normal (stddev 1, truncated at +/-2)
    weight = jnp.clip(jax.random.normal(k2, (NUM_EMBEDDINGS, EMBEDDING_DIM), dtype=jnp.float32), -2.0, 2.0)
    return {"token_ids": token_ids, "weight": weight}

def reference(token_ids, weight):
    # Faithful to torch: self.weight[token_ids]
    return jnp.take(weight, token_ids, axis=0)

if __name__ == "__main__":
    import jax
    _d = setup_inputs()
    print(jax.jit(kernel)(*tuple(_d.values())))

</pallas_src>

<mosaic_0001>
#map = affine_map<(d0, d1) -> (0, 0)>
module attributes {stable_mosaic.version = 14 : i64} {
  func.func @_body(%arg0: i32, %arg1: i32, %arg2: memref<6400x128xi32, #tpu.memory_space<hbm>>, %arg3: memref<1000000x32xf32, #tpu.memory_space<hbm>>, %arg4: memref<819200x32xf32, #tpu.memory_space<hbm>>, %arg5: memref<10x128xi32, #tpu.memory_space<vmem>>, %arg6: memref<10x128xi32, #tpu.memory_space<vmem>>, %arg7: memref<1280x32xf32, #tpu.memory_space<vmem>>, %arg8: memref<1280x32xf32, #tpu.memory_space<vmem>>, %arg9: memref<!tpu.dma_semaphore, #tpu.memory_space<semaphore_mem>>, %arg10: memref<!tpu.dma_semaphore, #tpu.memory_space<semaphore_mem>>, %arg11: memref<!tpu.dma_semaphore, #tpu.memory_space<semaphore_mem>>, %arg12: memref<!tpu.dma_semaphore, #tpu.memory_space<semaphore_mem>>, %arg13: memref<!tpu.dma_semaphore, #tpu.memory_space<semaphore_mem>>, %arg14: memref<!tpu.dma_semaphore, #tpu.memory_space<semaphore_mem>>) attributes {dimension_semantics = [#tpu.dimension_semantics<core_parallel>, #tpu.dimension_semantics<subcore_parallel>], iteration_bounds = array<i64: 2, 16>, scalar_prefetch = 0 : i64, scratch_operands = 10 : i64, tpu.core_type = #tpu.core_type<sc_vector_subcore>, window_params = [{transform_indices = #map}, {transform_indices = #map}, {transform_indices = #map}]} {
    %mul3A = arith.constant 2 : i32
    %mul3A_0 = arith.muli %arg1, %mul3A : i32
    %add3A = arith.addi %mul3A_0, %arg0 : i32
    %mul3A_1 = arith.constant 200 : i32
    %mul3A_2 = arith.muli %add3A, %mul3A_1 : i32
    %add3A_3 = arith.constant 0 : i32
    %add3A_4 = arith.addi %mul3A_2, %add3A_3 : i32
    %dma_start3A = arith.constant 0 : i32
    %dma_start3A_5 = tpu.memref_slice %arg2[%add3A_4, %dma_start3A] : memref<6400x128xi32, #tpu.memory_space<hbm>> -> memref<10x128xi32, #tpu.memory_space<hbm>>
    %dma_start3A_6 = arith.constant 0 : i32
    %dma_start3A_7 = tpu.memref_slice %arg2[%add3A_4, %dma_start3A_6] : memref<6400x128xi32, #tpu.memory_space<hbm>> -> memref<10x128xi32, #tpu.memory_space<hbm>>
    tpu.enqueue_dma source(%dma_start3A_7 : memref<10x128xi32, #tpu.memory_space<hbm>>) target(%arg5 : memref<10x128xi32, #tpu.memory_space<vmem>>) target_semaphore(%arg9 : memref<!tpu.dma_semaphore, #tpu.memory_space<semaphore_mem>>)
    %add3A_8 = arith.constant 10 : i32
    %add3A_9 = arith.addi %mul3A_2, %add3A_8 : i32
    %dma_start3A_10 = arith.constant 0 : i32
    %dma_start3A_11 = tpu.memref_slice %arg2[%add3A_9, %dma_start3A_10] : memref<6400x128xi32, #tpu.memory_space<hbm>> -> memref<10x128xi32, #tpu.memory_space<hbm>>
    %dma_start3A_12 = arith.constant 0 : i32
    %dma_start3A_13 = tpu.memref_slice %arg2[%add3A_9, %dma_start3A_12] : memref<6400x128xi32, #tpu.memory_space<hbm>> -> memref<10x128xi32, #tpu.memory_space<hbm>>
    tpu.enqueue_dma source(%dma_start3A_13 : memref<10x128xi32, #tpu.memory_space<hbm>>) target(%arg6 : memref<10x128xi32, #tpu.memory_space<vmem>>) target_semaphore(%arg10 : memref<!tpu.dma_semaphore, #tpu.memory_space<semaphore_mem>>)
    %add3A_14 = arith.constant 0 : i32
    %add3A_15 = arith.addi %mul3A_2, %add3A_14 : i32
    %dma_wait3A = arith.constant 0 : i32
    %dma_wait3A_16 = tpu.memref_slice %arg2[%add3A_15, %dma_wait3A] : memref<6400x128xi32, #tpu.memory_space<hbm>> -> memref<10x128xi32, #tpu.memory_space<hbm>>
    %dma_wait3A_17 = arith.constant 0 : i32
    %dma_wait3A_18 = tpu.memref_slice %arg2[%add3A_15, %dma_wait3A_17] : memref<6400x128xi32, #tpu.memory_space<hbm>> -> memref<10x128xi32, #tpu.memory_space<hbm>>
    tpu.wait_dma2 semaphore(%arg9 : memref<!tpu.dma_semaphore, #tpu.memory_space<semaphore_mem>>) src(%dma_wait3A_18 : memref<10x128xi32, #tpu.memory_space<hbm>>) dst(%arg5 : memref<10x128xi32, #tpu.memory_space<vmem>>)
    %dma_start3A_19 = arith.constant 0 : i32
    %dma_start3A_20 = arith.constant 0 : i32
    %dma_start3A_21 = arith.constant 0 : i32
    %dma_start3A_22 = tpu.memref_slice %arg7[%dma_start3A_20, %dma_start3A_21] : memref<1280x32xf32, #tpu.memory_space<vmem>> -> memref<128x32xf32, #tpu.memory_space<vmem>>
    %dma_start3A_23 = arith.constant 0 : i32
    %dma_start3A_24 = tpu.memref_slice %arg5[%dma_start3A_19, %dma_start3A_23] : memref<10x128xi32, #tpu.memory_space<vmem>> -> memref<1x128xi32, #tpu.memory_space<vmem>>
    %dma_start3A_25 = tpu.memref_squeeze %dma_start3A_24 : memref<1x128xi32, #tpu.memory_space<vmem>> -> memref<128xi32, #tpu.memory_space<vmem>>
    %dma_start3A_26 = arith.constant 0 : i32
    %dma_start3A_27 = arith.constant 0 : i32
    %dma_start3A_28 = tpu.memref_slice %arg3[%dma_start3A_26, %dma_start3A_27] : memref<1000000x32xf32, #tpu.memory_space<hbm>> -> memref<1000000x32xf32, #tpu.memory_space<hbm>>
    tpu.enqueue_indirect_dma source(%dma_start3A_28 : memref<1000000x32xf32, #tpu.memory_space<hbm>>) target(%dma_start3A_22 : memref<128x32xf32, #tpu.memory_space<vmem>>) offsets(%dma_start3A_25 : memref<128xi32, #tpu.memory_space<vmem>>) semaphore(%arg11 : memref<!tpu.dma_semaphore, #tpu.memory_space<semaphore_mem>>)
    %dma_start3A_29 = arith.constant 1 : i32
    %dma_start3A_30 = arith.constant 128 : i32
    %dma_start3A_31 = arith.constant 0 : i32
    %dma_start3A_32 = tpu.memref_slice %arg7[%dma_start3A_30, %dma_start3A_31] : memref<1280x32xf32, #tpu.memory_space<vmem>> -> memref<128x32xf32, #tpu.memory_space<vmem>>
    %dma_start3A_33 = arith.constant 0 : i32
    %dma_start3A_34 = tpu.memref_slice %arg5[%dma_start3A_29, %dma_start3A_33] : memref<10x128xi32, #tpu.memory_space<vmem>> -> memref<1x128xi32, #tpu.memory_space<vmem>>
    %dma_start3A_35 = tpu.memref_squeeze %dma_start3A_34 : memref<1x128xi32, #tpu.memory_space<vmem>> -> memref<128xi32, #tpu.memory_space<vmem>>
    %dma_start3A_36 = arith.constant 0 : i32
    %dma_start3A_37 = arith.constant 0 : i32
    %dma_start3A_38 = tpu.memref_slice %arg3[%dma_start3A_36, %dma_start3A_37] : memref<1000000x32xf32, #tpu.memory_space<hbm>> -> memref<1000000x32xf32, #tpu.memory_space<hbm>>
    tpu.enqueue_indirect_dma source(%dma_start3A_38 : memref<1000000x32xf32, #tpu.memory_space<hbm>>) target(%dma_start3A_32 : memref<128x32xf32, #tpu.memory_space<vmem>>) offsets(%dma_start3A_35 : memref<128xi32, #tpu.memory_space<vmem>>) semaphore(%arg11 : memref<!tpu.dma_semaphore, #tpu.memory_space<semaphore_mem>>)
    %dma_start3A_39 = arith.constant 2 : i32
    %dma_start3A_40 = arith.constant 256 : i32
    %dma_start3A_41 = arith.constant 0 : i32
    %dma_start3A_42 = tpu.memref_slice %arg7[%dma_start3A_40, %dma_start3A_41] : memref<1280x32xf32, #tpu.memory_space<vmem>> -> memref<128x32xf32, #tpu.memory_space<vmem>>
    %dma_start3A_43 = arith.constant 0 : i32
    %dma_start3A_44 = tpu.memref_slice %arg5[%dma_start3A_39, %dma_start3A_43] : memref<10x128xi32, #tpu.memory_space<vmem>> -> memref<1x128xi32, #tpu.memory_space<vmem>>
    %dma_start3A_45 = tpu.memref_squeeze %dma_start3A_44 : memref<1x128xi32, #tpu.memory_space<vmem>> -> memref<128xi32, #tpu.memory_space<vmem>>
    %dma_start3A_46 = arith.constant 0 : i32
    %dma_start3A_47 = arith.constant 0 : i32
    %dma_start3A_48 = tpu.memref_slice %arg3[%dma_start3A_46, %dma_start3A_47] : memref<1000000x32xf32, #tpu.memory_space<hbm>> -> memref<1000000x32xf32, #tpu.memory_space<hbm>>
    tpu.enqueue_indirect_dma source(%dma_start3A_48 : memref<1000000x32xf32, #tpu.memory_space<hbm>>) target(%dma_start3A_42 : memref<128x32xf32, #tpu.memory_space<vmem>>) offsets(%dma_start3A_45 : memref<128xi32, #tpu.memory_space<vmem>>) semaphore(%arg11 : memref<!tpu.dma_semaphore, #tpu.memory_space<semaphore_mem>>)
    %dma_start3A_49 = arith.constant 3 : i32
    %dma_start3A_50 = arith.constant 384 : i32
    %dma_start3A_51 = arith.constant 0 : i32
    %dma_start3A_52 = tpu.memref_slice %arg7[%dma_start3A_50, %dma_start3A_51] : memref<1280x32xf32, #tpu.memory_space<vmem>> -> memref<128x32xf32, #tpu.memory_space<vmem>>
    %dma_start3A_53 = arith.constant 0 : i32
    %dma_start3A_54 = tpu.memref_slice %arg5[%dma_start3A_49, %dma_start3A_53] : memref<10x128xi32, #tpu.memory_space<vmem>> -> memref<1x128xi32, #tpu.memory_space<vmem>>
    %dma_start3A_55 = tpu.memref_squeeze %dma_start3A_54 : memref<1x128xi32, #tpu.memory_space<vmem>> -> memref<128xi32, #tpu.memory_space<vmem>>
    %dma_start3A_56 = arith.constant 0 : i32
    %dma_start3A_57 = arith.constant 0 : i32
    %dma_start3A_58 = tpu.memref_slice %arg3[%dma_start3A_56, %dma_start3A_57] : memref<1000000x32xf32, #tpu.memory_space<hbm>> -> memref<1000000x32xf32, #tpu.memory_space<hbm>>
    tpu.enqueue_indirect_dma source(%dma_start3A_58 : memref<1000000x32xf32, #tpu.memory_space<hbm>>) target(%dma_start3A_52 : memref<128x32xf32, #tpu.memory_space<vmem>>) offsets(%dma_start3A_55 : memref<128xi32, #tpu.memory_space<vmem>>) semaphore(%arg11 : memref<!tpu.dma_semaphore, #tpu.memory_space<semaphore_mem>>)
    %dma_start3A_59 = arith.constant 4 : i32
    %dma_start3A_60 = arith.constant 512 : i32
    %dma_start3A_61 = arith.constant 0 : i32
    %dma_start3A_62 = tpu.memref_slice %arg7[%dma_start3A_60, %dma_start3A_61] : memref<1280x32xf32, #tpu.memory_space<vmem>> -> memref<128x32xf32, #tpu.memory_space<vmem>>
    %dma_start3A_63 = arith.constant 0 : i32
    %dma_start3A_64 = tpu.memref_slice %arg5[%dma_start3A_59, %dma_start3A_63] : memref<10x128xi32, #tpu.memory_space<vmem>> -> memref<1x128xi32, #tpu.memory_space<vmem>>
    %dma_start3A_65 = tpu.memref_squeeze %dma_start3A_64 : memref<1x128xi32, #tpu.memory_space<vmem>> -> memref<128xi32, #tpu.memory_space<vmem>>
    %dma_start3A_66 = arith.constant 0 : i32
    %dma_start3A_67 = arith.constant 0 : i32
    %dma_start3A_68 = tpu.memref_slice %arg3[%dma_start3A_66, %dma_start3A_67] : memref<1000000x32xf32, #tpu.memory_space<hbm>> -> memref<1000000x32xf32, #tpu.memory_space<hbm>>
    tpu.enqueue_indirect_dma source(%dma_start3A_68 : memref<1000000x32xf32, #tpu.memory_space<hbm>>) target(%dma_start3A_62 : memref<128x32xf32, #tpu.memory_space<vmem>>) offsets(%dma_start3A_65 : memref<128xi32, #tpu.memory_space<vmem>>) semaphore(%arg11 : memref<!tpu.dma_semaphore, #tpu.memory_space<semaphore_mem>>)
    %dma_start3A_69 = arith.constant 5 : i32
    %dma_start3A_70 = arith.constant 640 : i32
    %dma_start3A_71 = arith.constant 0 : i32
    %dma_start3A_72 = tpu.memref_slice %arg7[%dma_start3A_70, %dma_start3A_71] : memref<1280x32xf32, #tpu.memory_space<vmem>> -> memref<128x32xf32, #tpu.memory_space<vmem>>
    %dma_start3A_73 = arith.constant 0 : i32
    %dma_start3A_74 = tpu.memref_slice %arg5[%dma_start3A_69, %dma_start3A_73] : memref<10x128xi32, #tpu.memory_space<vmem>> -> memref<1x128xi32, #tpu.memory_space<vmem>>
    %dma_start3A_75 = tpu.memref_squeeze %dma_start3A_74 : memref<1x128xi32, #tpu.memory_space<vmem>> -> memref<128xi32, #tpu.memory_space<vmem>>
    %dma_start3A_76 = arith.constant 0 : i32
    %dma_start3A_77 = arith.constant 0 : i32
    %dma_start3A_78 = tpu.memref_slice %arg3[%dma_start3A_76, %dma_start3A_77] : memref<1000000x32xf32, #tpu.memory_space<hbm>> -> memref<1000000x32xf32, #tpu.memory_space<hbm>>
    tpu.enqueue_indirect_dma source(%dma_start3A_78 : memref<1000000x32xf32, #tpu.memory_space<hbm>>) target(%dma_start3A_72 : memref<128x32xf32, #tpu.memory_space<vmem>>) offsets(%dma_start3A_75 : memref<128xi32, #tpu.memory_space<vmem>>) semaphore(%arg11 : memref<!tpu.dma_semaphore, #tpu.memory_space<semaphore_mem>>)
    %dma_start3A_79 = arith.constant 6 : i32
    %dma_start3A_80 = arith.constant 768 : i32
    %dma_start3A_81 = arith.constant 0 : i32
    %dma_start3A_82 = tpu.memref_slice %arg7[%dma_start3A_80, %dma_start3A_81] : memref<1280x32xf32, #tpu.memory_space<vmem>> -> memref<128x32xf32, #tpu.memory_space<vmem>>
    %dma_start3A_83 = arith.constant 0 : i32
    %dma_start3A_84 = tpu.memref_slice %arg5[%dma_start3A_79, %dma_start3A_83] : memref<10x128xi32, #tpu.memory_space<vmem>> -> memref<1x128xi32, #tpu.memory_space<vmem>>
    %dma_start3A_85 = tpu.memref_squeeze %dma_start3A_84 : memref<1x128xi32, #tpu.memory_space<vmem>> -> memref<128xi32, #tpu.memory_space<vmem>>
    %dma_start3A_86 = arith.constant 0 : i32
    %dma_start3A_87 = arith.constant 0 : i32
    %dma_start3A_88 = tpu.memref_slice %arg3[%dma_start3A_86, %dma_start3A_87] : memref<1000000x32xf32, #tpu.memory_space<hbm>> -> memref<1000000x32xf32, #tpu.memory_space<hbm>>
    tpu.enqueue_indirect_dma source(%dma_start3A_88 : memref<1000000x32xf32, #tpu.memory_space<hbm>>) target(%dma_start3A_82 : memref<128x32xf32, #tpu.memory_space<vmem>>) offsets(%dma_start3A_85 : memref<128xi32, #tpu.memory_space<vmem>>) semaphore(%arg11 : memref<!tpu.dma_semaphore, #tpu.memory_space<semaphore_mem>>)
    %dma_start3A_89 = arith.constant 7 : i32
    %dma_start3A_90 = arith.constant 896 : i32
    %dma_start3A_91 = arith.constant 0 : i32
    %dma_start3A_92 = tpu.memref_slice %arg7[%dma_start3A_90, %dma_start3A_91] : memref<1280x32xf32, #tpu.memory_space<vmem>> -> memref<128x32xf32, #tpu.memory_space<vmem>>
    %dma_start3A_93 = arith.constant 0 : i32
    %dma_start3A_94 = tpu.memref_slice %arg5[%dma_start3A_89, %dma_start3A_93] : memref<10x128xi32, #tpu.memory_space<vmem>> -> memref<1x128xi32, #tpu.memory_space<vmem>>
    %dma_start3A_95 = tpu.memref_squeeze %dma_start3A_94 : memref<1x128xi32, #tpu.memory_space<vmem>> -> memref<128xi32, #tpu.memory_space<vmem>>
    %dma_start3A_96 = arith.constant 0 : i32
    %dma_start3A_97 = arith.constant 0 : i32
    %dma_start3A_98 = tpu.memref_slice %arg3[%dma_start3A_96, %dma_start3A_97] : memref<1000000x32xf32, #tpu.memory_space<hbm>> -> memref<1000000x32xf32, #tpu.memory_space<hbm>>
    tpu.enqueue_indirect_dma source(%dma_start3A_98 : memref<1000000x32xf32, #tpu.memory_space<hbm>>) target(%dma_start3A_92 : memref<128x32xf32, #tpu.memory_space<vmem>>) offsets(%dma_start3A_95 : memref<128xi32, #tpu.memory_space<vmem>>) semaphore(%arg11 : memref<!tpu.dma_semaphore, #tpu.memory_space<semaphore_mem>>)
    %dma_start3A_99 = arith.constant 8 : i32
    %dma_start3A_100 = arith.constant 1024 : i32
    %dma_start3A_101 = arith.constant 0 : i32
    %dma_start3A_102 = tpu.memref_slice %arg7[%dma_start3A_100, %dma_start3A_101] : memref<1280x32xf32, #tpu.memory_space<vmem>> -> memref<128x32xf32, #tpu.memory_space<vmem>>
    %dma_start3A_103 = arith.constant 0 : i32
    %dma_start3A_104 = tpu.memref_slice %arg5[%dma_start3A_99, %dma_start3A_103] : memref<10x128xi32, #tpu.memory_space<vmem>> -> memref<1x128xi32, #tpu.memory_space<vmem>>
    %dma_start3A_105 = tpu.memref_squeeze %dma_start3A_104 : memref<1x128xi32, #tpu.memory_space<vmem>> -> memref<128xi32, #tpu.memory_space<vmem>>
    %dma_start3A_106 = arith.constant 0 : i32
    %dma_start3A_107 = arith.constant 0 : i32
    %dma_start3A_108 = tpu.memref_slice %arg3[%dma_start3A_106, %dma_start3A_107] : memref<1000000x32xf32, #tpu.memory_space<hbm>> -> memref<1000000x32xf32, #tpu.memory_space<hbm>>
    tpu.enqueue_indirect_dma source(%dma_start3A_108 : memref<1000000x32xf32, #tpu.memory_space<hbm>>) target(%dma_start3A_102 : memref<128x32xf32, #tpu.memory_space<vmem>>) offsets(%dma_start3A_105 : memref<128xi32, #tpu.memory_space<vmem>>) semaphore(%arg11 : memref<!tpu.dma_semaphore, #tpu.memory_space<semaphore_mem>>)
    %dma_start3A_109 = arith.constant 9 : i32
    %dma_start3A_110 = arith.constant 1152 : i32
    %dma_start3A_111 = arith.constant 0 : i32
    %dma_start3A_112 = tpu.memref_slice %arg7[%dma_start3A_110, %dma_start3A_111] : memref<1280x32xf32, #tpu.memory_space<vmem>> -> memref<128x32xf32, #tpu.memory_space<vmem>>
    %dma_start3A_113 = arith.constant 0 : i32
    %dma_start3A_114 = tpu.memref_slice %arg5[%dma_start3A_109, %dma_start3A_113] : memref<10x128xi32, #tpu.memory_space<vmem>> -> memref<1x128xi32, #tpu.memory_space<vmem>>
    %dma_start3A_115 = tpu.memref_squeeze %dma_start3A_114 : memref<1x128xi32, #tpu.memory_space<vmem>> -> memref<128xi32, #tpu.memory_space<vmem>>
    %dma_start3A_116 = arith.constant 0 : i32
    %dma_start3A_117 = arith.constant 0 : i32
    %dma_start3A_118 = tpu.memref_slice %arg3[%dma_start3A_116, %dma_start3A_117] : memref<1000000x32xf32, #tpu.memory_space<hbm>> -> memref<1000000x32xf32, #tpu.memory_space<hbm>>
    tpu.enqueue_indirect_dma source(%dma_start3A_118 : memref<1000000x32xf32, #tpu.memory_space<hbm>>) target(%dma_start3A_112 : memref<128x32xf32, #tpu.memory_space<vmem>>) offsets(%dma_start3A_115 : memref<128xi32, #tpu.memory_space<vmem>>) semaphore(%arg11 : memref<!tpu.dma_semaphore, #tpu.memory_space<semaphore_mem>>)
    %scan3A = arith.constant 0 : i32
    %scan3A_119 = arith.constant 0 : i32
    %scan3A_120 = arith.constant 10 : i32
    %scan3A_121 = arith.addi %scan3A_119, %scan3A_120 : i32
    %scan3A_122 = arith.constant 1 : i32
    scf.for %scan3A_132 = %scan3A_119 to %scan3A_121 step %scan3A_122  : i32 {
      %add3A_133 = arith.constant 1 : i32
      %add3A_134 = arith.addi %scan3A_132, %add3A_133 : i32
      %lt3A = arith.constant 10 : i32
      %lt3A_135 = arith.cmpi slt, %add3A_134, %lt3A : i32
      %mul3A_136 = arith.constant 2 : i32
      %mul3A_137 = arith.muli %mul3A_136, %scan3A_132 : i32
      %add3A_138 = arith.constant 0 : i32
      %add3A_139 = arith.addi %mul3A_137, %add3A_138 : i32
      %add3A_140 = arith.constant 1 : i32
      %add3A_141 = arith.addi %add3A_139, %add3A_140 : i32
      %mul3A_142 = arith.constant 10 : i32
      %mul3A_143 = arith.muli %add3A_141, %mul3A_142 : i32
      %add3A_144 = arith.addi %mul3A_2, %mul3A_143 : i32
      %dma_wait3A_145 = arith.constant 0 : i32
      %dma_wait3A_146 = tpu.memref_slice %arg2[%add3A_144, %dma_wait3A_145] : memref<6400x128xi32, #tpu.memory_space<hbm>> -> memref<10x128xi32, #tpu.memory_space<hbm>>
      %dma_wait3A_147 = arith.constant 0 : i32
      %dma_wait3A_148 = tpu.memref_slice %arg2[%add3A_144, %dma_wait3A_147] : memref<6400x128xi32, #tpu.memory_space<hbm>> -> memref<10x128xi32, #tpu.memory_space<hbm>>
      tpu.wait_dma2 semaphore(%arg10 : memref<!tpu.dma_semaphore, #tpu.memory_space<semaphore_mem>>) src(%dma_wait3A_148 : memref<10x128xi32, #tpu.memory_space<hbm>>) dst(%arg6 : memref<10x128xi32, #tpu.memory_space<vmem>>)
      %dma_wait3A_149 = arith.constant 0 : i32
      %dma_wait3A_150 = arith.constant 0 : i32
      %dma_wait3A_151 = arith.constant 0 : i32
      %dma_wait3A_152 = tpu.memref_slice %arg7[%dma_wait3A_150, %dma_wait3A_151] : memref<1280x32xf32, #tpu.memory_space<vmem>> -> memref<128x32xf32, #tpu.memory_space<vmem>>
      %dma_wait3A_153 = arith.constant 0 : i32
      %dma_wait3A_154 = tpu.memref_slice %arg5[%dma_wait3A_149, %dma_wait3A_153] : memref<10x128xi32, #tpu.memory_space<vmem>> -> memref<1x128xi32, #tpu.memory_space<vmem>>
      %dma_wait3A_155 = tpu.memref_squeeze %dma_wait3A_154 : memref<1x128xi32, #tpu.memory_space<vmem>> -> memref<128xi32, #tpu.memory_space<vmem>>
      %dma_wait3A_156 = arith.constant 0 : i32
      %dma_wait3A_157 = arith.constant 0 : i32
      %dma_wait3A_158 = tpu.memref_slice %arg3[%dma_wait3A_156, %dma_wait3A_157] : memref<1000000x32xf32, #tpu.memory_space<hbm>> -> memref<1000000x32xf32, #tpu.memory_space<hbm>>
      tpu.wait_indirect_dma semaphore(%arg11 : memref<!tpu.dma_semaphore, #tpu.memory_space<semaphore_mem>>) src(%dma_wait3A_158 : memref<1000000x32xf32, #tpu.memory_space<hbm>>) dst(%dma_wait3A_152 : memref<128x32xf32, #tpu.memory_space<vmem>>)
      %dma_wait3A_159 = arith.constant 1 : i32
      %dma_wait3A_160 = arith.constant 128 : i32
      %dma_wait3A_161 = arith.constant 0 : i32
      %dma_wait3A_162 = tpu.memref_slice %arg7[%dma_wait3A_160, %dma_wait3A_161] : memref<1280x32xf32, #tpu.memory_space<vmem>> -> memref<128x32xf32, #tpu.memory_space<vmem>>
      %dma_wait3A_163 = arith.constant 0 : i32
      %dma_wait3A_164 = tpu.memref_slice %arg5[%dma_wait3A_159, %dma_wait3A_163] : memref<10x128xi32, #tpu.memory_space<vmem>> -> memref<1x128xi32, #tpu.memory_space<vmem>>
      %dma_wait3A_165 = tpu.memref_squeeze %dma_wait3A_164 : memref<1x128xi32, #tpu.memory_space<vmem>> -> memref<128xi32, #tpu.memory_space<vmem>>
      %dma_wait3A_166 = arith.constant 0 : i32
      %dma_wait3A_167 = arith.constant 0 : i32
      %dma_wait3A_168 = tpu.memref_slice %arg3[%dma_wait3A_166, %dma_wait3A_167] : memref<1000000x32xf32, #tpu.memory_space<hbm>> -> memref<1000000x32xf32, #tpu.memory_space<hbm>>
      tpu.wait_indirect_dma semaphore(%arg11 : memref<!tpu.dma_semaphore, #tpu.memory_space<semaphore_mem>>) src(%dma_wait3A_168 : memref<1000000x32xf32, #tpu.memory_space<hbm>>) dst(%dma_wait3A_162 : memref<128x32xf32, #tpu.memory_space<vmem>>)
      %dma_wait3A_169 = arith.constant 2 : i32
      %dma_wait3A_170 = arith.constant 256 : i32
      %dma_wait3A_171 = arith.constant 0 : i32
      %dma_wait3A_172 = tpu.memref_slice %arg7[%dma_wait3A_170, %dma_wait3A_171] : memref<1280x32xf32, #tpu.memory_space<vmem>> -> memref<128x32xf32, #tpu.memory_space<vmem>>
      %dma_wait3A_173 = arith.constant 0 : i32
      %dma_wait3A_174 = tpu.memref_slice %arg5[%dma_wait3A_169, %dma_wait3A_173] : memref<10x128xi32, #tpu.memory_space<vmem>> -> memref<1x128xi32, #tpu.memory_space<vmem>>
      %dma_wait3A_175 = tpu.memref_squeeze %dma_wait3A_174 : memref<1x128xi32, #tpu.memory_space<vmem>> -> memref<128xi32, #tpu.memory_space<vmem>>
      %dma_wait3A_176 = arith.constant 0 : i32
      %dma_wait3A_177 = arith.constant 0 : i32
      %dma_wait3A_178 = tpu.memref_slice %arg3[%dma_wait3A_176, %dma_wait3A_177] : memref<1000000x32xf32, #tpu.memory_space<hbm>> -> memref<1000000x32xf32, #tpu.memory_space<hbm>>
      tpu.wait_indirect_dma semaphore(%arg11 : memref<!tpu.dma_semaphore, #tpu.memory_space<semaphore_mem>>) src(%dma_wait3A_178 : memref<1000000x32xf32, #tpu.memory_space<hbm>>) dst(%dma_wait3A_172 : memref<128x32xf32, #tpu.memory_space<vmem>>)
      %dma_wait3A_179 = arith.constant 3 : i32
      %dma_wait3A_180 = arith.constant 384 : i32
      %dma_wait3A_181 = arith.constant 0 : i32
      %dma_wait3A_182 = tpu.memref_slice %arg7[%dma_wait3A_180, %dma_wait3A_181] : memref<1280x32xf32, #tpu.memory_space<vmem>> -> memref<128x32xf32, #tpu.memory_space<vmem>>
      %dma_wait3A_183 = arith.constant 0 : i32
      %dma_wait3A_184 = tpu.memref_slice %arg5[%dma_wait3A_179, %dma_wait3A_183] : memref<10x128xi32, #tpu.memory_space<vmem>> -> memref<1x128xi32, #tpu.memory_space<vmem>>
      %dma_wait3A_185 = tpu.memref_squeeze %dma_wait3A_184 : memref<1x128xi32, #tpu.memory_space<vmem>> -> memref<128xi32, #tpu.memory_space<vmem>>
      %dma_wait3A_186 = arith.constant 0 : i32
      %dma_wait3A_187 = arith.constant 0 : i32
      %dma_wait3A_188 = tpu.memref_slice %arg3[%dma_wait3A_186, %dma_wait3A_187] : memref<1000000x32xf32, #tpu.memory_space<hbm>> -> memref<1000000x32xf32, #tpu.memory_space<hbm>>
      tpu.wait_indirect_dma semaphore(%arg11 : memref<!tpu.dma_semaphore, #tpu.memory_space<semaphore_mem>>) src(%dma_wait3A_188 : memref<1000000x32xf32, #tpu.memory_space<hbm>>) dst(%dma_wait3A_182 : memref<128x32xf32, #tpu.memory_space<vmem>>)
      %dma_wait3A_189 = arith.constant 4 : i32
      %dma_wait3A_190 = arith.constant 512 : i32
      %dma_wait3A_191 = arith.constant 0 : i32
      %dma_wait3A_192 = tpu.memref_slice %arg7[%dma_wait3A_190, %dma_wait3A_191] : memref<1280x32xf32, #tpu.memory_space<vmem>> -> memref<128x32xf32, #tpu.memory_space<vmem>>
      %dma_wait3A_193 = arith.constant 0 : i32
      %dma_wait3A_194 = tpu.memref_slice %arg5[%dma_wait3A_189, %dma_wait3A_193] : memref<10x128xi32, #tpu.memory_space<vmem>> -> memref<1x128xi32, #tpu.memory_space<vmem>>
      %dma_wait3A_195 = tpu.memref_squeeze %dma_wait3A_194 : memref<1x128xi32, #tpu.memory_space<vmem>> -> memref<128xi32, #tpu.memory_space<vmem>>
      %dma_wait3A_196 = arith.constant 0 : i32
      %dma_wait3A_197 = arith.constant 0 : i32
      %dma_wait3A_198 = tpu.memref_slice %arg3[%dma_wait3A_196, %dma_wait3A_197] : memref<1000000x32xf32, #tpu.memory_space<hbm>> -> memref<1000000x32xf32, #tpu.memory_space<hbm>>
      tpu.wait_indirect_dma semaphore(%arg11 : memref<!tpu.dma_semaphore, #tpu.memory_space<semaphore_mem>>) src(%dma_wait3A_198 : memref<1000000x32xf32, #tpu.memory_space<hbm>>) dst(%dma_wait3A_192 : memref<128x32xf32, #tpu.memory_space<vmem>>)
      %dma_wait3A_199 = arith.constant 5 : i32
      %dma_wait3A_200 = arith.constant 640 : i32
      %dma_wait3A_201 = arith.constant 0 : i32
      %dma_wait3A_202 = tpu.memref_slice %arg7[%dma_wait3A_200, %dma_wait3A_201] : memref<1280x32xf32, #tpu.memory_space<vmem>> -> memref<128x32xf32, #tpu.memory_space<vmem>>
      %dma_wait3A_203 = arith.constant 0 : i32
      %dma_wait3A_204 = tpu.memref_slice %arg5[%dma_wait3A_199, %dma_wait3A_203] : memref<10x128xi32, #tpu.memory_space<vmem>> -> memref<1x128xi32, #tpu.memory_space<vmem>>
      %dma_wait3A_205 = tpu.memref_squeeze %dma_wait3A_204 : memref<1x128xi32, #tpu.memory_space<vmem>> -> memref<128xi32, #tpu.memory_space<vmem>>
      %dma_wait3A_206 = arith.constant 0 : i32
      %dma_wait3A_207 = arith.constant 0 : i32
      %dma_wait3A_208 = tpu.memref_slice %arg3[%dma_wait3A_206, %dma_wait3A_207] : memref<1000000x32xf32, #tpu.memory_space<hbm>> -> memref<1000000x32xf32, #tpu.memory_space<hbm>>
      tpu.wait_indirect_dma semaphore(%arg11 : memref<!tpu.dma_semaphore, #tpu.memory_space<semaphore_mem>>) src(%dma_wait3A_208 : memref<1000000x32xf32, #tpu.memory_space<hbm>>) dst(%dma_wait3A_202 : memref<128x32xf32, #tpu.memory_space<vmem>>)
      %dma_wait3A_209 = arith.constant 6 : i32
      %dma_wait3A_210 = arith.constant 768 : i32
      %dma_wait3A_211 = arith.constant 0 : i32
      %dma_wait3A_212 = tpu.memref_slice %arg7[%dma_wait3A_210, %dma_wait3A_211] : memref<1280x32xf32, #tpu.memory_space<vmem>> -> memref<128x32xf32, #tpu.memory_space<vmem>>
      %dma_wait3A_213 = arith.constant 0 : i32
      %dma_wait3A_214 = tpu.memref_slice %arg5[%dma_wait3A_209, %dma_wait3A_213] : memref<10x128xi32, #tpu.memory_space<vmem>> -> memref<1x128xi32, #tpu.memory_space<vmem>>
      %dma_wait3A_215 = tpu.memref_squeeze %dma_wait3A_214 : memref<1x128xi32, #tpu.memory_space<vmem>> -> memref<128xi32, #tpu.memory_space<vmem>>
      %dma_wait3A_216 = arith.constant 0 : i32
      %dma_wait3A_217 = arith.constant 0 : i32
      %dma_wait3A_218 = tpu.memref_slice %arg3[%dma_wait3A_216, %dma_wait3A_217] : memref<1000000x32xf32, #tpu.memory_space<hbm>> -> memref<1000000x32xf32, #tpu.memory_space<hbm>>
      tpu.wait_indirect_dma semaphore(%arg11 : memref<!tpu.dma_semaphore, #tpu.memory_space<semaphore_mem>>) src(%dma_wait3A_218 : memref<1000000x32xf32, #tpu.memory_space<hbm>>) dst(%dma_wait3A_212 : memref<128x32xf32, #tpu.memory_space<vmem>>)
      %dma_wait3A_219 = arith.constant 7 : i32
      %dma_wait3A_220 = arith.constant 896 : i32
      %dma_wait3A_221 = arith.constant 0 : i32
      %dma_wait3A_222 = tpu.memref_slice %arg7[%dma_wait3A_220, %dma_wait3A_221] : memref<1280x32xf32, #tpu.memory_space<vmem>> -> memref<128x32xf32, #tpu.memory_space<vmem>>
      %dma_wait3A_223 = arith.constant 0 : i32
      %dma_wait3A_224 = tpu.memref_slice %arg5[%dma_wait3A_219, %dma_wait3A_223] : memref<10x128xi32, #tpu.memory_space<vmem>> -> memref<1x128xi32, #tpu.memory_space<vmem>>
      %dma_wait3A_225 = tpu.memref_squeeze %dma_wait3A_224 : memref<1x128xi32, #tpu.memory_space<vmem>> -> memref<128xi32, #tpu.memory_space<vmem>>
      %dma_wait3A_226 = arith.constant 0 : i32
      %dma_wait3A_227 = arith.constant 0 : i32
      %dma_wait3A_228 = tpu.memref_slice %arg3[%dma_wait3A_226, %dma_wait3A_227] : memref<1000000x32xf32, #tpu.memory_space<hbm>> -> memref<1000000x32xf32, #tpu.memory_space<hbm>>
      tpu.wait_indirect_dma semaphore(%arg11 : memref<!tpu.dma_semaphore, #tpu.memory_space<semaphore_mem>>) src(%dma_wait3A_228 : memref<1000000x32xf32, #tpu.memory_space<hbm>>) dst(%dma_wait3A_222 : memref<128x32xf32, #tpu.memory_space<vmem>>)
      %dma_wait3A_229 = arith.constant 8 : i32
      %dma_wait3A_230 = arith.constant 1024 : i32
      %dma_wait3A_231 = arith.constant 0 : i32
      %dma_wait3A_232 = tpu.memref_slice %arg7[%dma_wait3A_230, %dma_wait3A_231] : memref<1280x32xf32, #tpu.memory_space<vmem>> -> memref<128x32xf32, #tpu.memory_space<vmem>>
      %dma_wait3A_233 = arith.constant 0 : i32
      %dma_wait3A_234 = tpu.memref_slice %arg5[%dma_wait3A_229, %dma_wait3A_233] : memref<10x128xi32, #tpu.memory_space<vmem>> -> memref<1x128xi32, #tpu.memory_space<vmem>>
      %dma_wait3A_235 = tpu.memref_squeeze %dma_wait3A_234 : memref<1x128xi32, #tpu.memory_space<vmem>> -> memref<128xi32, #tpu.memory_space<vmem>>
      %dma_wait3A_236 = arith.constant 0 : i32
      %dma_wait3A_237 = arith.constant 0 : i32
      %dma_wait3A_238 = tpu.memref_slice %arg3[%dma_wait3A_236, %dma_wait3A_237] : memref<1000000x32xf32, #tpu.memory_space<hbm>> -> memref<1000000x32xf32, #tpu.memory_space<hbm>>
      tpu.wait_indirect_dma semaphore(%arg11 : memref<!tpu.dma_semaphore, #tpu.memory_space<semaphore_mem>>) src(%dma_wait3A_238 : memref<1000000x32xf32, #tpu.memory_space<hbm>>) dst(%dma_wait3A_232 : memref<128x32xf32, #tpu.memory_space<vmem>>)
      %dma_wait3A_239 = arith.constant 9 : i32
      %dma_wait3A_240 = arith.constant 1152 : i32
      %dma_wait3A_241 = arith.constant 0 : i32
      %dma_wait3A_242 = tpu.memref_slice %arg7[%dma_wait3A_240, %dma_wait3A_241] : memref<1280x32xf32, #tpu.memory_space<vmem>> -> memref<128x32xf32, #tpu.memory_space<vmem>>
      %dma_wait3A_243 = arith.constant 0 : i32
      %dma_wait3A_244 = tpu.memref_slice %arg5[%dma_wait3A_239, %dma_wait3A_243] : memref<10x128xi32, #tpu.memory_space<vmem>> -> memref<1x128xi32, #tpu.memory_space<vmem>>
      %dma_wait3A_245 = tpu.memref_squeeze %dma_wait3A_244 : memref<1x128xi32, #tpu.memory_space<vmem>> -> memref<128xi32, #tpu.memory_space<vmem>>
      %dma_wait3A_246 = arith.constant 0 : i32
      %dma_wait3A_247 = arith.constant 0 : i32
      %dma_wait3A_248 = tpu.memref_slice %arg3[%dma_wait3A_246, %dma_wait3A_247] : memref<1000000x32xf32, #tpu.memory_space<hbm>> -> memref<1000000x32xf32, #tpu.memory_space<hbm>>
      tpu.wait_indirect_dma semaphore(%arg11 : memref<!tpu.dma_semaphore, #tpu.memory_space<semaphore_mem>>) src(%dma_wait3A_248 : memref<1000000x32xf32, #tpu.memory_space<hbm>>) dst(%dma_wait3A_242 : memref<128x32xf32, #tpu.memory_space<vmem>>)
      %gt3A = arith.constant 0 : i32
      %gt3A_249 = arith.cmpi sgt, %add3A_139, %gt3A : i32
      %convert_element_type3A = arith.extui %gt3A_249 : i1 to i32
      %cond3A = arith.constant 0 : i32
      %cond3A_250 = arith.cmpi ne, %convert_element_type3A, %cond3A : i32
      scf.if %cond3A_250 {
        %add3A_498 = arith.constant 0 : i32
        %add3A_499 = arith.addi %mul3A_2, %add3A_498 : i32
        %mul3A_500 = arith.constant 128 : i32
        %mul3A_501 = arith.muli %add3A_499, %mul3A_500 : i32
        %dma_wait3A_502 = arith.constant 0 : i32
        %dma_wait3A_503 = tpu.memref_slice %arg4[%mul3A_501, %dma_wait3A_502] : memref<819200x32xf32, #tpu.memory_space<hbm>> -> memref<1280x32xf32, #tpu.memory_space<hbm>>
        %dma_wait3A_504 = arith.constant 0 : i32
        %dma_wait3A_505 = tpu.memref_slice %arg4[%mul3A_501, %dma_wait3A_504] : memref<819200x32xf32, #tpu.memory_space<hbm>> -> memref<1280x32xf32, #tpu.memory_space<hbm>>
        tpu.wait_dma2 semaphore(%arg14 : memref<!tpu.dma_semaphore, #tpu.memory_space<semaphore_mem>>) src(%dma_wait3A_505 : memref<1280x32xf32, #tpu.memory_space<hbm>>) dst(%arg8 : memref<1280x32xf32, #tpu.memory_space<vmem>>)
      } else {
      }
      %dma_start3A_251 = arith.constant 0 : i32
      %dma_start3A_252 = arith.constant 0 : i32
      %dma_start3A_253 = arith.constant 0 : i32
      %dma_start3A_254 = tpu.memref_slice %arg8[%dma_start3A_252, %dma_start3A_253] : memref<1280x32xf32, #tpu.memory_space<vmem>> -> memref<128x32xf32, #tpu.memory_space<vmem>>
      %dma_start3A_255 = arith.constant 0 : i32
      %dma_start3A_256 = tpu.memref_slice %arg6[%dma_start3A_251, %dma_start3A_255] : memref<10x128xi32, #tpu.memory_space<vmem>> -> memref<1x128xi32, #tpu.memory_space<vmem>>
      %dma_start3A_257 = tpu.memref_squeeze %dma_start3A_256 : memref<1x128xi32, #tpu.memory_space<vmem>> -> memref<128xi32, #tpu.memory_space<vmem>>
      %dma_start3A_258 = arith.constant 0 : i32
      %dma_start3A_259 = arith.constant 0 : i32
      %dma_start3A_260 = tpu.memref_slice %arg3[%dma_start3A_258, %dma_start3A_259] : memref<1000000x32xf32, #tpu.memory_space<hbm>> -> memref<1000000x32xf32, #tpu.memory_space<hbm>>
      tpu.enqueue_indirect_dma source(%dma_start3A_260 : memref<1000000x32xf32, #tpu.memory_space<hbm>>) target(%dma_start3A_254 : memref<128x32xf32, #tpu.memory_space<vmem>>) offsets(%dma_start3A_257 : memref<128xi32, #tpu.memory_space<vmem>>) semaphore(%arg12 : memref<!tpu.dma_semaphore, #tpu.memory_space<semaphore_mem>>)
      %dma_start3A_261 = arith.constant 1 : i32
      %dma_start3A_262 = arith.constant 128 : i32
      %dma_start3A_263 = arith.constant 0 : i32
      %dma_start3A_264 = tpu.memref_slice %arg8[%dma_start3A_262, %dma_start3A_263] : memref<1280x32xf32, #tpu.memory_space<vmem>> -> memref<128x32xf32, #tpu.memory_space<vmem>>
      %dma_start3A_265 = arith.constant 0 : i32
      %dma_start3A_266 = tpu.memref_slice %arg6[%dma_start3A_261, %dma_start3A_265] : memref<10x128xi32, #tpu.memory_space<vmem>> -> memref<1x128xi32, #tpu.memory_space<vmem>>
      %dma_start3A_267 = tpu.memref_squeeze %dma_start3A_266 : memref<1x128xi32, #tpu.memory_space<vmem>> -> memref<128xi32, #tpu.memory_space<vmem>>
      %dma_start3A_268 = arith.constant 0 : i32
      %dma_start3A_269 = arith.constant 0 : i32
      %dma_start3A_270 = tpu.memref_slice %arg3[%dma_start3A_268, %dma_start3A_269] : memref<1000000x32xf32, #tpu.memory_space<hbm>> -> memref<1000000x32xf32, #tpu.memory_space<hbm>>
      tpu.enqueue_indirect_dma source(%dma_start3A_270 : memref<1000000x32xf32, #tpu.memory_space<hbm>>) target(%dma_start3A_264 : memref<128x32xf32, #tpu.memory_space<vmem>>) offsets(%dma_start3A_267 : memref<128xi32, #tpu.memory_space<vmem>>) semaphore(%arg12 : memref<!tpu.dma_semaphore, #tpu.memory_space<semaphore_mem>>)
      %dma_start3A_271 = arith.constant 2 : i32
      %dma_start3A_272 = arith.constant 256 : i32
      %dma_start3A_273 = arith.constant 0 : i32
      %dma_start3A_274 = tpu.memref_slice %arg8[%dma_start3A_272, %dma_start3A_273] : memref<1280x32xf32, #tpu.memory_space<vmem>> -> memref<128x32xf32, #tpu.memory_space<vmem>>
      %dma_start3A_275 = arith.constant 0 : i32
      %dma_start3A_276 = tpu.memref_slice %arg6[%dma_start3A_271, %dma_start3A_275] : memref<10x128xi32, #tpu.memory_space<vmem>> -> memref<1x128xi32, #tpu.memory_space<vmem>>
      %dma_start3A_277 = tpu.memref_squeeze %dma_start3A_276 : memref<1x128xi32, #tpu.memory_space<vmem>> -> memref<128xi32, #tpu.memory_space<vmem>>
      %dma_start3A_278 = arith.constant 0 : i32
      %dma_start3A_279 = arith.constant 0 : i32
      %dma_start3A_280 = tpu.memref_slice %arg3[%dma_start3A_278, %dma_start3A_279] : memref<1000000x32xf32, #tpu.memory_space<hbm>> -> memref<1000000x32xf32, #tpu.memory_space<hbm>>
      tpu.enqueue_indirect_dma source(%dma_start3A_280 : memref<1000000x32xf32, #tpu.memory_space<hbm>>) target(%dma_start3A_274 : memref<128x32xf32, #tpu.memory_space<vmem>>) offsets(%dma_start3A_277 : memref<128xi32, #tpu.memory_space<vmem>>) semaphore(%arg12 : memref<!tpu.dma_semaphore, #tpu.memory_space<semaphore_mem>>)
      %dma_start3A_281 = arith.constant 3 : i32
      %dma_start3A_282 = arith.constant 384 : i32
      %dma_start3A_283 = arith.constant 0 : i32
      %dma_start3A_284 = tpu.memref_slice %arg8[%dma_start3A_282, %dma_start3A_283] : memref<1280x32xf32, #tpu.memory_space<vmem>> -> memref<128x32xf32, #tpu.memory_space<vmem>>
      %dma_start3A_285 = arith.constant 0 : i32
      %dma_start3A_286 = tpu.memref_slice %arg6[%dma_start3A_281, %dma_start3A_285] : memref<10x128xi32, #tpu.memory_space<vmem>> -> memref<1x128xi32, #tpu.memory_space<vmem>>
      %dma_start3A_287 = tpu.memref_squeeze %dma_start3A_286 : memref<1x128xi32, #tpu.memory_space<vmem>> -> memref<128xi32, #tpu.memory_space<vmem>>
      %dma_start3A_288 = arith.constant 0 : i32
      %dma_start3A_289 = arith.constant 0 : i32
      %dma_start3A_290 = tpu.memref_slice %arg3[%dma_start3A_288, %dma_start3A_289] : memref<1000000x32xf32, #tpu.memory_space<hbm>> -> memref<1000000x32xf32, #tpu.memory_space<hbm>>
      tpu.enqueue_indirect_dma source(%dma_start3A_290 : memref<1000000x32xf32, #tpu.memory_space<hbm>>) target(%dma_start3A_284 : memref<128x32xf32, #tpu.memory_space<vmem>>) offsets(%dma_start3A_287 : memref<128xi32, #tpu.memory_space<vmem>>) semaphore(%arg12 : memref<!tpu.dma_semaphore, #tpu.memory_space<semaphore_mem>>)
      %dma_start3A_291 = arith.constant 4 : i32
      %dma_start3A_292 = arith.constant 512 : i32
      %dma_start3A_293 = arith.constant 0 : i32
      %dma_start3A_294 = tpu.memref_slice %arg8[%dma_start3A_292, %dma_start3A_293] : memref<1280x32xf32, #tpu.memory_space<vmem>> -> memref<128x32xf32, #tpu.memory_space<vmem>>
      %dma_start3A_295 = arith.constant 0 : i32
      %dma_start3A_296 = tpu.memref_slice %arg6[%dma_start3A_291, %dma_start3A_295] : memref<10x128xi32, #tpu.memory_space<vmem>> -> memref<1x128xi32, #tpu.memory_space<vmem>>
      %dma_start3A_297 = tpu.memref_squeeze %dma_start3A_296 : memref<1x128xi32, #tpu.memory_space<vmem>> -> memref<128xi32, #tpu.memory_space<vmem>>
      %dma_start3A_298 = arith.constant 0 : i32
      %dma_start3A_299 = arith.constant 0 : i32
      %dma_start3A_300 = tpu.memref_slice %arg3[%dma_start3A_298, %dma_start3A_299] : memref<1000000x32xf32, #tpu.memory_space<hbm>> -> memref<1000000x32xf32, #tpu.memory_space<hbm>>
      tpu.enqueue_indirect_dma source(%dma_start3A_300 : memref<1000000x32xf32, #tpu.memory_space<hbm>>) target(%dma_start3A_294 : memref<128x32xf32, #tpu.memory_space<vmem>>) offsets(%dma_start3A_297 : memref<128xi32, #tpu.memory_space<vmem>>) semaphore(%arg12 : memref<!tpu.dma_semaphore, #tpu.memory_space<semaphore_mem>>)
      %dma_start3A_301 = arith.constant 5 : i32
      %dma_start3A_302 = arith.constant 640 : i32
      %dma_start3A_303 = arith.constant 0 : i32
      %dma_start3A_304 = tpu.memref_slice %arg8[%dma_start3A_302, %dma_start3A_303] : memref<1280x32xf32, #tpu.memory_space<vmem>> -> memref<128x32xf32, #tpu.memory_space<vmem>>
      %dma_start3A_305 = arith.constant 0 : i32
      %dma_start3A_306 = tpu.memref_slice %arg6[%dma_start3A_301, %dma_start3A_305] : memref<10x128xi32, #tpu.memory_space<vmem>> -> memref<1x128xi32, #tpu.memory_space<vmem>>
      %dma_start3A_307 = tpu.memref_squeeze %dma_start3A_306 : memref<1x128xi32, #tpu.memory_space<vmem>> -> memref<128xi32, #tpu.memory_space<vmem>>
      %dma_start3A_308 = arith.constant 0 : i32
      %dma_start3A_309 = arith.constant 0 : i32
      %dma_start3A_310 = tpu.memref_slice %arg3[%dma_start3A_308, %dma_start3A_309] : memref<1000000x32xf32, #tpu.memory_space<hbm>> -> memref<1000000x32xf32, #tpu.memory_space<hbm>>
      tpu.enqueue_indirect_dma source(%dma_start3A_310 : memref<1000000x32xf32, #tpu.memory_space<hbm>>) target(%dma_start3A_304 : memref<128x32xf32, #tpu.memory_space<vmem>>) offsets(%dma_start3A_307 : memref<128xi32, #tpu.memory_space<vmem>>) semaphore(%arg12 : memref<!tpu.dma_semaphore, #tpu.memory_space<semaphore_mem>>)
      %dma_start3A_311 = arith.constant 6 : i32
      %dma_start3A_312 = arith.constant 768 : i32
      %dma_start3A_313 = arith.constant 0 : i32
      %dma_start3A_314 = tpu.memref_slice %arg8[%dma_start3A_312, %dma_start3A_313] : memref<1280x32xf32, #tpu.memory_space<vmem>> -> memref<128x32xf32, #tpu.memory_space<vmem>>
      %dma_start3A_315 = arith.constant 0 : i32
      %dma_start3A_316 = tpu.memref_slice %arg6[%dma_start3A_311, %dma_start3A_315] : memref<10x128xi32, #tpu.memory_space<vmem>> -> memref<1x128xi32, #tpu.memory_space<vmem>>
      %dma_start3A_317 = tpu.memref_squeeze %dma_start3A_316 : memref<1x128xi32, #tpu.memory_space<vmem>> -> memref<128xi32, #tpu.memory_space<vmem>>
      %dma_start3A_318 = arith.constant 0 : i32
      %dma_start3A_319 = arith.constant 0 : i32
      %dma_start3A_320 = tpu.memref_slice %arg3[%dma_start3A_318, %dma_start3A_319] : memref<1000000x32xf32, #tpu.memory_space<hbm>> -> memref<1000000x32xf32, #tpu.memory_space<hbm>>
      tpu.enqueue_indirect_dma source(%dma_start3A_320 : memref<1000000x32xf32, #tpu.memory_space<hbm>>) target(%dma_start3A_314 : memref<128x32xf32, #tpu.memory_space<vmem>>) offsets(%dma_start3A_317 : memref<128xi32, #tpu.memory_space<vmem>>) semaphore(%arg12 : memref<!tpu.dma_semaphore, #tpu.memory_space<semaphore_mem>>)
      %dma_start3A_321 = arith.constant 7 : i32
      %dma_start3A_322 = arith.constant 896 : i32
      %dma_start3A_323 = arith.constant 0 : i32
      %dma_start3A_324 = tpu.memref_slice %arg8[%dma_start3A_322, %dma_start3A_323] : memref<1280x32xf32, #tpu.memory_space<vmem>> -> memref<128x32xf32, #tpu.memory_space<vmem>>
      %dma_start3A_325 = arith.constant 0 : i32
      %dma_start3A_326 = tpu.memref_slice %arg6[%dma_start3A_321, %dma_start3A_325] : memref<10x128xi32, #tpu.memory_space<vmem>> -> memref<1x128xi32, #tpu.memory_space<vmem>>
      %dma_start3A_327 = tpu.memref_squeeze %dma_start3A_326 : memref<1x128xi32, #tpu.memory_space<vmem>> -> memref<128xi32, #tpu.memory_space<vmem>>
      %dma_start3A_328 = arith.constant 0 : i32
      %dma_start3A_329 = arith.constant 0 : i32
      %dma_start3A_330 = tpu.memref_slice %arg3[%dma_start3A_328, %dma_start3A_329] : memref<1000000x32xf32, #tpu.memory_space<hbm>> -> memref<1000000x32xf32, #tpu.memory_space<hbm>>
      tpu.enqueue_indirect_dma source(%dma_start3A_330 : memref<1000000x32xf32, #tpu.memory_space<hbm>>) target(%dma_start3A_324 : memref<128x32xf32, #tpu.memory_space<vmem>>) offsets(%dma_start3A_327 : memref<128xi32, #tpu.memory_space<vmem>>) semaphore(%arg12 : memref<!tpu.dma_semaphore, #tpu.memory_space<semaphore_mem>>)
      %dma_start3A_331 = arith.constant 8 : i32
      %dma_start3A_332 = arith.constant 1024 : i32
      %dma_start3A_333 = arith.constant 0 : i32
      %dma_start3A_334 = tpu.memref_slice %arg8[%dma_start3A_332, %dma_start3A_333] : memref<1280x32xf32, #tpu.memory_space<vmem>> -> memref<128x32xf32, #tpu.memory_space<vmem>>
      %dma_start3A_335 = arith.constant 0 : i32
      %dma_start3A_336 = tpu.memref_slice %arg6[%dma_start3A_331, %dma_start3A_335] : memref<10x128xi32, #tpu.memory_space<vmem>> -> memref<1x128xi32, #tpu.memory_space<vmem>>
      %dma_start3A_337 = tpu.memref_squeeze %dma_start3A_336 : memref<1x128xi32, #tpu.memory_space<vmem>> -> memref<128xi32, #tpu.memory_space<vmem>>
      %dma_start3A_338 = arith.constant 0 : i32
      %dma_start3A_339 = arith.constant 0 : i32
      %dma_start3A_340 = tpu.memref_slice %arg3[%dma_start3A_338, %dma_start3A_339] : memref<1000000x32xf32, #tpu.memory_space<hbm>> -> memref<1000000x32xf32, #tpu.memory_space<hbm>>
      tpu.enqueue_indirect_dma source(%dma_start3A_340 : memref<1000000x32xf32, #tpu.memory_space<hbm>>) target(%dma_start3A_334 : memref<128x32xf32, #tpu.memory_space<vmem>>) offsets(%dma_start3A_337 : memref<128xi32, #tpu.memory_space<vmem>>) semaphore(%arg12 : memref<!tpu.dma_semaphore, #tpu.memory_space<semaphore_mem>>)
      %dma_start3A_341 = arith.constant 9 : i32
      %dma_start3A_342 = arith.constant 1152 : i32
      %dma_start3A_343 = arith.constant 0 : i32
      %dma_start3A_344 = tpu.memref_slice %arg8[%dma_start3A_342, %dma_start3A_343] : memref<1280x32xf32, #tpu.memory_space<vmem>> -> memref<128x32xf32, #tpu.memory_space<vmem>>
      %dma_start3A_345 = arith.constant 0 : i32
      %dma_start3A_346 = tpu.memref_slice %arg6[%dma_start3A_341, %dma_start3A_345] : memref<10x128xi32, #tpu.memory_space<vmem>> -> memref<1x128xi32, #tpu.memory_space<vmem>>
      %dma_start3A_347 = tpu.memref_squeeze %dma_start3A_346 : memref<1x128xi32, #tpu.memory_space<vmem>> -> memref<128xi32, #tpu.memory_space<vmem>>
      %dma_start3A_348 = arith.constant 0 : i32
      %dma_start3A_349 = arith.constant 0 : i32
      %dma_start3A_350 = tpu.memref_slice %arg3[%dma_start3A_348, %dma_start3A_349] : memref<1000000x32xf32, #tpu.memory_space<hbm>> -> memref<1000000x32xf32, #tpu.memory_space<hbm>>
      tpu.enqueue_indirect_dma source(%dma_start3A_350 : memref<1000000x32xf32, #tpu.memory_space<hbm>>) target(%dma_start3A_344 : memref<128x32xf32, #tpu.memory_space<vmem>>) offsets(%dma_start3A_347 : memref<128xi32, #tpu.memory_space<vmem>>) semaphore(%arg12 : memref<!tpu.dma_semaphore, #tpu.memory_space<semaphore_mem>>)
      %mul3A_351 = arith.constant 10 : i32
      %mul3A_352 = arith.muli %add3A_139, %mul3A_351 : i32
      %add3A_353 = arith.addi %mul3A_2, %mul3A_352 : i32
      %mul3A_354 = arith.constant 128 : i32
      %mul3A_355 = arith.muli %add3A_353, %mul3A_354 : i32
      %dma_start3A_356 = arith.constant 0 : i32
      %dma_start3A_357 = tpu.memref_slice %arg4[%mul3A_355, %dma_start3A_356] : memref<819200x32xf32, #tpu.memory_space<hbm>> -> memref<1280x32xf32, #tpu.memory_space<hbm>>
      %dma_start3A_358 = arith.constant 0 : i32
      %dma_start3A_359 = tpu.memref_slice %arg4[%mul3A_355, %dma_start3A_358] : memref<819200x32xf32, #tpu.memory_space<hbm>> -> memref<1280x32xf32, #tpu.memory_space<hbm>>
      tpu.enqueue_dma source(%arg7 : memref<1280x32xf32, #tpu.memory_space<vmem>>) target(%dma_start3A_359 : memref<1280x32xf32, #tpu.memory_space<hbm>>) target_semaphore(%arg13 : memref<!tpu.dma_semaphore, #tpu.memory_space<semaphore_mem>>)
      %add3A_360 = arith.constant 2 : i32
      %add3A_361 = arith.addi %add3A_139, %add3A_360 : i32
      %lt3A_362 = arith.constant 20 : i32
      %lt3A_363 = arith.cmpi slt, %add3A_361, %lt3A_362 : i32
      %convert_element_type3A_364 = arith.extui %lt3A_363 : i1 to i32
      %cond3A_365 = arith.constant 0 : i32
      %cond3A_366 = arith.cmpi ne, %convert_element_type3A_364, %cond3A_365 : i32
      scf.if %cond3A_366 {
        %add3A_498 = arith.constant 2 : i32
        %add3A_499 = arith.addi %add3A_139, %add3A_498 : i32
        %mul3A_500 = arith.constant 10 : i32
        %mul3A_501 = arith.muli %add3A_499, %mul3A_500 : i32
        %add3A_502 = arith.addi %mul3A_2, %mul3A_501 : i32
        %dma_start3A_503 = arith.constant 0 : i32
        %dma_start3A_504 = tpu.memref_slice %arg2[%add3A_502, %dma_start3A_503] : memref<6400x128xi32, #tpu.memory_space<hbm>> -> memref<10x128xi32, #tpu.memory_space<hbm>>
        %dma_start3A_505 = arith.constant 0 : i32
        %dma_start3A_506 = tpu.memref_slice %arg2[%add3A_502, %dma_start3A_505] : memref<6400x128xi32, #tpu.memory_space<hbm>> -> memref<10x128xi32, #tpu.memory_space<hbm>>
        tpu.enqueue_dma source(%dma_start3A_506 : memref<10x128xi32, #tpu.memory_space<hbm>>) target(%arg5 : memref<10x128xi32, #tpu.memory_space<vmem>>) target_semaphore(%arg9 : memref<!tpu.dma_semaphore, #tpu.memory_space<semaphore_mem>>)
      } else {
      }
      %mul3A_367 = arith.constant 2 : i32
      %mul3A_368 = arith.muli %mul3A_367, %scan3A_132 : i32
      %add3A_369 = arith.constant 1 : i32
      %add3A_370 = arith.addi %mul3A_368, %add3A_369 : i32
      %convert_element_type3A_371 = arith.extui %lt3A_135 : i1 to i32
      %cond3A_372 = arith.constant 0 : i32
      %cond3A_373 = arith.cmpi ne, %convert_element_type3A_371, %cond3A_372 : i32
      scf.if %cond3A_373 {
        %add3A_498 = arith.constant 1 : i32
        %add3A_499 = arith.addi %add3A_370, %add3A_498 : i32
        %mul3A_500 = arith.constant 10 : i32
        %mul3A_501 = arith.muli %add3A_499, %mul3A_500 : i32
        %add3A_502 = arith.addi %mul3A_2, %mul3A_501 : i32
        %dma_wait3A_503 = arith.constant 0 : i32
        %dma_wait3A_504 = tpu.memref_slice %arg2[%add3A_502, %dma_wait3A_503] : memref<6400x128xi32, #tpu.memory_space<hbm>> -> memref<10x128xi32, #tpu.memory_space<hbm>>
        %dma_wait3A_505 = arith.constant 0 : i32
        %dma_wait3A_506 = tpu.memref_slice %arg2[%add3A_502, %dma_wait3A_505] : memref<6400x128xi32, #tpu.memory_space<hbm>> -> memref<10x128xi32, #tpu.memory_space<hbm>>
        tpu.wait_dma2 semaphore(%arg9 : memref<!tpu.dma_semaphore, #tpu.memory_space<semaphore_mem>>) src(%dma_wait3A_506 : memref<10x128xi32, #tpu.memory_space<hbm>>) dst(%arg5 : memref<10x128xi32, #tpu.memory_space<vmem>>)
      } else {
      }
      %dma_wait3A_374 = arith.constant 0 : i32
      %dma_wait3A_375 = arith.constant 0 : i32
      %dma_wait3A_376 = arith.constant 0 : i32
      %dma_wait3A_377 = tpu.memref_slice %arg8[%dma_wait3A_375, %dma_wait3A_376] : memref<1280x32xf32, #tpu.memory_space<vmem>> -> memref<128x32xf32, #tpu.memory_space<vmem>>
      %dma_wait3A_378 = arith.constant 0 : i32
      %dma_wait3A_379 = tpu.memref_slice %arg6[%dma_wait3A_374, %dma_wait3A_378] : memref<10x128xi32, #tpu.memory_space<vmem>> -> memref<1x128xi32, #tpu.memory_space<vmem>>
      %dma_wait3A_380 = tpu.memref_squeeze %dma_wait3A_379 : memref<1x128xi32, #tpu.memory_space<vmem>> -> memref<128xi32, #tpu.memory_space<vmem>>
      %dma_wait3A_381 = arith.constant 0 : i32
      %dma_wait3A_382 = arith.constant 0 : i32
      %dma_wait3A_383 = tpu.memref_slice %arg3[%dma_wait3A_381, %dma_wait3A_382] : memref<1000000x32xf32, #tpu.memory_space<hbm>> -> memref<1000000x32xf32, #tpu.memory_space<hbm>>
      tpu.wait_indirect_dma semaphore(%arg12 : memref<!tpu.dma_semaphore, #tpu.memory_space<semaphore_mem>>) src(%dma_wait3A_383 : memref<1000000x32xf32, #tpu.memory_space<hbm>>) dst(%dma_wait3A_377 : memref<128x32xf32, #tpu.memory_space<vmem>>)
      %dma_wait3A_384 = arith.constant 1 : i32
      %dma_wait3A_385 = arith.constant 128 : i32
      %dma_wait3A_386 = arith.constant 0 : i32
      %dma_wait3A_387 = tpu.memref_slice %arg8[%dma_wait3A_385, %dma_wait3A_386] : memref<1280x32xf32, #tpu.memory_space<vmem>> -> memref<128x32xf32, #tpu.memory_space<vmem>>
      %dma_wait3A_388 = arith.constant 0 : i32
      %dma_wait3A_389 = tpu.memref_slice %arg6[%dma_wait3A_384, %dma_wait3A_388] : memref<10x128xi32, #tpu.memory_space<vmem>> -> memref<1x128xi32, #tpu.memory_space<vmem>>
      %dma_wait3A_390 = tpu.memref_squeeze %dma_wait3A_389 : memref<1x128xi32, #tpu.memory_space<vmem>> -> memref<128xi32, #tpu.memory_space<vmem>>
      %dma_wait3A_391 = arith.constant 0 : i32
      %dma_wait3A_392 = arith.constant 0 : i32
      %dma_wait3A_393 = tpu.memref_slice %arg3[%dma_wait3A_391, %dma_wait3A_392] : memref<1000000x32xf32, #tpu.memory_space<hbm>> -> memref<1000000x32xf32, #tpu.memory_space<hbm>>
      tpu.wait_indirect_dma semaphore(%arg12 : memref<!tpu.dma_semaphore, #tpu.memory_space<semaphore_mem>>) src(%dma_wait3A_393 : memref<1000000x32xf32, #tpu.memory_space<hbm>>) dst(%dma_wait3A_387 : memref<128x32xf32, #tpu.memory_space<vmem>>)
      %dma_wait3A_394 = arith.constant 2 : i32
      %dma_wait3A_395 = arith.constant 256 : i32
      %dma_wait3A_396 = arith.constant 0 : i32
      %dma_wait3A_397 = tpu.memref_slice %arg8[%dma_wait3A_395, %dma_wait3A_396] : memref<1280x32xf32, #tpu.memory_space<vmem>> -> memref<128x32xf32, #tpu.memory_space<vmem>>
      %dma_wait3A_398 = arith.constant 0 : i32
      %dma_wait3A_399 = tpu.memref_slice %arg6[%dma_wait3A_394, %dma_wait3A_398] : memref<10x128xi32, #tpu.memory_space<vmem>> -> memref<1x128xi32, #tpu.memory_space<vmem>>
      %dma_wait3A_400 = tpu.memref_squeeze %dma_wait3A_399 : memref<1x128xi32, #tpu.memory_space<vmem>> -> memref<128xi32, #tpu.memory_space<vmem>>
      %dma_wait3A_401 = arith.constant 0 : i32
      %dma_wait3A_402 = arith.constant 0 : i32
      %dma_wait3A_403 = tpu.memref_slice %arg3[%dma_wait3A_401, %dma_wait3A_402] : memref<1000000x32xf32, #tpu.memory_space<hbm>> -> memref<1000000x32xf32, #tpu.memory_space<hbm>>
      tpu.wait_indirect_dma semaphore(%arg12 : memref<!tpu.dma_semaphore, #tpu.memory_space<semaphore_mem>>) src(%dma_wait3A_403 : memref<1000000x32xf32, #tpu.memory_space<hbm>>) dst(%dma_wait3A_397 : memref<128x32xf32, #tpu.memory_space<vmem>>)
      %dma_wait3A_404 = arith.constant 3 : i32
      %dma_wait3A_405 = arith.constant 384 : i32
      %dma_wait3A_406 = arith.constant 0 : i32
      %dma_wait3A_407 = tpu.memref_slice %arg8[%dma_wait3A_405, %dma_wait3A_406] : memref<1280x32xf32, #tpu.memory_space<vmem>> -> memref<128x32xf32, #tpu.memory_space<vmem>>
      %dma_wait3A_408 = arith.constant 0 : i32
      %dma_wait3A_409 = tpu.memref_slice %arg6[%dma_wait3A_404, %dma_wait3A_408] : memref<10x128xi32, #tpu.memory_space<vmem>> -> memref<1x128xi32, #tpu.memory_space<vmem>>
      %dma_wait3A_410 = tpu.memref_squeeze %dma_wait3A_409 : memref<1x128xi32, #tpu.memory_space<vmem>> -> memref<128xi32, #tpu.memory_space<vmem>>
      %dma_wait3A_411 = arith.constant 0 : i32
      %dma_wait3A_412 = arith.constant 0 : i32
      %dma_wait3A_413 = tpu.memref_slice %arg3[%dma_wait3A_411, %dma_wait3A_412] : memref<1000000x32xf32, #tpu.memory_space<hbm>> -> memref<1000000x32xf32, #tpu.memory_space<hbm>>
      tpu.wait_indirect_dma semaphore(%arg12 : memref<!tpu.dma_semaphore, #tpu.memory_space<semaphore_mem>>) src(%dma_wait3A_413 : memref<1000000x32xf32, #tpu.memory_space<hbm>>) dst(%dma_wait3A_407 : memref<128x32xf32, #tpu.memory_space<vmem>>)
      %dma_wait3A_414 = arith.constant 4 : i32
      %dma_wait3A_415 = arith.constant 512 : i32
      %dma_wait3A_416 = arith.constant 0 : i32
      %dma_wait3A_417 = tpu.memref_slice %arg8[%dma_wait3A_415, %dma_wait3A_416] : memref<1280x32xf32, #tpu.memory_space<vmem>> -> memref<128x32xf32, #tpu.memory_space<vmem>>
      %dma_wait3A_418 = arith.constant 0 : i32
      %dma_wait3A_419 = tpu.memref_slice %arg6[%dma_wait3A_414, %dma_wait3A_418] : memref<10x128xi32, #tpu.memory_space<vmem>> -> memref<1x128xi32, #tpu.memory_space<vmem>>
      %dma_wait3A_420 = tpu.memref_squeeze %dma_wait3A_419 : memref<1x128xi32, #tpu.memory_space<vmem>> -> memref<128xi32, #tpu.memory_space<vmem>>
      %dma_wait3A_421 = arith.constant 0 : i32
      %dma_wait3A_422 = arith.constant 0 : i32
      %dma_wait3A_423 = tpu.memref_slice %arg3[%dma_wait3A_421, %dma_wait3A_422] : memref<1000000x32xf32, #tpu.memory_space<hbm>> -> memref<1000000x32xf32, #tpu.memory_space<hbm>>
      tpu.wait_indirect_dma semaphore(%arg12 : memref<!tpu.dma_semaphore, #tpu.memory_space<semaphore_mem>>) src(%dma_wait3A_423 : memref<1000000x32xf32, #tpu.memory_space<hbm>>) dst(%dma_wait3A_417 : memref<128x32xf32, #tpu.memory_space<vmem>>)
      %dma_wait3A_424 = arith.constant 5 : i32
      %dma_wait3A_425 = arith.constant 640 : i32
      %dma_wait3A_426 = arith.constant 0 : i32
      %dma_wait3A_427 = tpu.memref_slice %arg8[%dma_wait3A_425, %dma_wait3A_426] : memref<1280x32xf32, #tpu.memory_space<vmem>> -> memref<128x32xf32, #tpu.memory_space<vmem>>
      %dma_wait3A_428 = arith.constant 0 : i32
      %dma_wait3A_429 = tpu.memref_slice %arg6[%dma_wait3A_424, %dma_wait3A_428] : memref<10x128xi32, #tpu.memory_space<vmem>> -> memref<1x128xi32, #tpu.memory_space<vmem>>
      %dma_wait3A_430 = tpu.memref_squeeze %dma_wait3A_429 : memref<1x128xi32, #tpu.memory_space<vmem>> -> memref<128xi32, #tpu.memory_space<vmem>>
      %dma_wait3A_431 = arith.constant 0 : i32
      %dma_wait3A_432 = arith.constant 0 : i32
      %dma_wait3A_433 = tpu.memref_slice %arg3[%dma_wait3A_431, %dma_wait3A_432] : memref<1000000x32xf32, #tpu.memory_space<hbm>> -> memref<1000000x32xf32, #tpu.memory_space<hbm>>
      tpu.wait_indirect_dma semaphore(%arg12 : memref<!tpu.dma_semaphore, #tpu.memory_space<semaphore_mem>>) src(%dma_wait3A_433 : memref<1000000x32xf32, #tpu.memory_space<hbm>>) dst(%dma_wait3A_427 : memref<128x32xf32, #tpu.memory_space<vmem>>)
      %dma_wait3A_434 = arith.constant 6 : i32
      %dma_wait3A_435 = arith.constant 768 : i32
      %dma_wait3A_436 = arith.constant 0 : i32
      %dma_wait3A_437 = tpu.memref_slice %arg8[%dma_wait3A_435, %dma_wait3A_436] : memref<1280x32xf32, #tpu.memory_space<vmem>> -> memref<128x32xf32, #tpu.memory_space<vmem>>
      %dma_wait3A_438 = arith.constant 0 : i32
      %dma_wait3A_439 = tpu.memref_slice %arg6[%dma_wait3A_434, %dma_wait3A_438] : memref<10x128xi32, #tpu.memory_space<vmem>> -> memref<1x128xi32, #tpu.memory_space<vmem>>
      %dma_wait3A_440 = tpu.memref_squeeze %dma_wait3A_439 : memref<1x128xi32, #tpu.memory_space<vmem>> -> memref<128xi32, #tpu.memory_space<vmem>>
      %dma_wait3A_441 = arith.constant 0 : i32
      %dma_wait3A_442 = arith.constant 0 : i32
      %dma_wait3A_443 = tpu.memref_slice %arg3[%dma_wait3A_441, %dma_wait3A_442] : memref<1000000x32xf32, #tpu.memory_space<hbm>> -> memref<1000000x32xf32, #tpu.memory_space<hbm>>
      tpu.wait_indirect_dma semaphore(%arg12 : memref<!tpu.dma_semaphore, #tpu.memory_space<semaphore_mem>>) src(%dma_wait3A_443 : memref<1000000x32xf32, #tpu.memory_space<hbm>>) dst(%dma_wait3A_437 : memref<128x32xf32, #tpu.memory_space<vmem>>)
      %dma_wait3A_444 = arith.constant 7 : i32
      %dma_wait3A_445 = arith.constant 896 : i32
      %dma_wait3A_446 = arith.constant 0 : i32
      %dma_wait3A_447 = tpu.memref_slice %arg8[%dma_wait3A_445, %dma_wait3A_446] : memref<1280x32xf32, #tpu.memory_space<vmem>> -> memref<128x32xf32, #tpu.memory_space<vmem>>
      %dma_wait3A_448 = arith.constant 0 : i32
      %dma_wait3A_449 = tpu.memref_slice %arg6[%dma_wait3A_444, %dma_wait3A_448] : memref<10x128xi32, #tpu.memory_space<vmem>> -> memref<1x128xi32, #tpu.memory_space<vmem>>
      %dma_wait3A_450 = tpu.memref_squeeze %dma_wait3A_449 : memref<1x128xi32, #tpu.memory_space<vmem>> -> memref<128xi32, #tpu.memory_space<vmem>>
      %dma_wait3A_451 = arith.constant 0 : i32
      %dma_wait3A_452 = arith.constant 0 : i32
      %dma_wait3A_453 = tpu.memref_slice %arg3[%dma_wait3A_451, %dma_wait3A_452] : memref<1000000x32xf32, #tpu.memory_space<hbm>> -> memref<1000000x32xf32, #tpu.memory_space<hbm>>
      tpu.wait_indirect_dma semaphore(%arg12 : memref<!tpu.dma_semaphore, #tpu.memory_space<semaphore_mem>>) src(%dma_wait3A_453 : memref<1000000x32xf32, #tpu.memory_space<hbm>>) dst(%dma_wait3A_447 : memref<128x32xf32, #tpu.memory_space<vmem>>)
      %dma_wait3A_454 = arith.constant 8 : i32
      %dma_wait3A_455 = arith.constant 1024 : i32
      %dma_wait3A_456 = arith.constant 0 : i32
      %dma_wait3A_457 = tpu.memref_slice %arg8[%dma_wait3A_455, %dma_wait3A_456] : memref<1280x32xf32, #tpu.memory_space<vmem>> -> memref<128x32xf32, #tpu.memory_space<vmem>>
      %dma_wait3A_458 = arith.constant 0 : i32
      %dma_wait3A_459 = tpu.memref_slice %arg6[%dma_wait3A_454, %dma_wait3A_458] : memref<10x128xi32, #tpu.memory_space<vmem>> -> memref<1x128xi32, #tpu.memory_space<vmem>>
      %dma_wait3A_460 = tpu.memref_squeeze %dma_wait3A_459 : memref<1x128xi32, #tpu.memory_space<vmem>> -> memref<128xi32, #tpu.memory_space<vmem>>
      %dma_wait3A_461 = arith.constant 0 : i32
      %dma_wait3A_462 = arith.constant 0 : i32
      %dma_wait3A_463 = tpu.memref_slice %arg3[%dma_wait3A_461, %dma_wait3A_462] : memref<1000000x32xf32, #tpu.memory_space<hbm>> -> memref<1000000x32xf32, #tpu.memory_space<hbm>>
      tpu.wait_indirect_dma semaphore(%arg12 : memref<!tpu.dma_semaphore, #tpu.memory_space<semaphore_mem>>) src(%dma_wait3A_463 : memref<1000000x32xf32, #tpu.memory_space<hbm>>) dst(%dma_wait3A_457 : memref<128x32xf32, #tpu.memory_space<vmem>>)
      %dma_wait3A_464 = arith.constant 9 : i32
      %dma_wait3A_465 = arith.constant 1152 : i32
      %dma_wait3A_466 = arith.constant 0 : i32
      %dma_wait3A_467 = tpu.memref_slice %arg8[%dma_wait3A_465, %dma_wait3A_466] : memref<1280x32xf32, #tpu.memory_space<vmem>> -> memref<128x32xf32, #tpu.memory_space<vmem>>
      %dma_wait3A_468 = arith.constant 0 : i32
      %dma_wait3A_469 = tpu.memref_slice %arg6[%dma_wait3A_464, %dma_wait3A_468] : memref<10x128xi32, #tpu.memory_space<vmem>> -> memref<1x128xi32, #tpu.memory_space<vmem>>
      %dma_wait3A_470 = tpu.memref_squeeze %dma_wait3A_469 : memref<1x128xi32, #tpu.memory_space<vmem>> -> memref<128xi32, #tpu.memory_space<vmem>>
      %dma_wait3A_471 = arith.constant 0 : i32
      %dma_wait3A_472 = arith.constant 0 : i32
      %dma_wait3A_473 = tpu.memref_slice %arg3[%dma_wait3A_471, %dma_wait3A_472] : memref<1000000x32xf32, #tpu.memory_space<hbm>> -> memref<1000000x32xf32, #tpu.memory_space<hbm>>
      tpu.wait_indirect_dma semaphore(%arg12 : memref<!tpu.dma_semaphore, #tpu.memory_space<semaphore_mem>>) src(%dma_wait3A_473 : memref<1000000x32xf32, #tpu.memory_space<hbm>>) dst(%dma_wait3A_467 : memref<128x32xf32, #tpu.memory_space<vmem>>)
      %gt3A_474 = arith.constant 0 : i32
      %gt3A_475 = arith.cmpi sgt, %add3A_370, %gt3A_474 : i32
      %convert_element_type3A_476 = arith.extui %gt3A_475 : i1 to i32
      %cond3A_477 = arith.constant 0 : i32
      %cond3A_478 = arith.cmpi ne, %convert_element_type3A_476, %cond3A_477 : i32
      scf.if %cond3A_478 {
        %add3A_498 = arith.constant 0 : i32
        %add3A_499 = arith.addi %mul3A_2, %add3A_498 : i32
        %mul3A_500 = arith.constant 128 : i32
        %mul3A_501 = arith.muli %add3A_499, %mul3A_500 : i32
        %dma_wait3A_502 = arith.constant 0 : i32
        %dma_wait3A_503 = tpu.memref_slice %arg4[%mul3A_501, %dma_wait3A_502] : memref<819200x32xf32, #tpu.memory_space<hbm>> -> memref<1280x32xf32, #tpu.memory_space<hbm>>
        %dma_wait3A_504 = arith.constant 0 : i32
        %dma_wait3A_505 = tpu.memref_slice %arg4[%mul3A_501, %dma_wait3A_504] : memref<819200x32xf32, #tpu.memory_space<hbm>> -> memref<1280x32xf32, #tpu.memory_space<hbm>>
        tpu.wait_dma2 semaphore(%arg13 : memref<!tpu.dma_semaphore, #tpu.memory_space<semaphore_mem>>) src(%dma_wait3A_505 : memref<1280x32xf32, #tpu.memory_space<hbm>>) dst(%arg7 : memref<1280x32xf32, #tpu.memory_space<vmem>>)
      } else {
      }
      %convert_element_type3A_479 = arith.extui %lt3A_135 : i1 to i32
      %cond3A_480 = arith.constant 0 : i32
      %cond3A_481 = arith.cmpi ne, %convert_element_type3A_479, %cond3A_480 : i32
      scf.if %cond3A_481 {
        %dma_start3A_498 = arith.constant 0 : i32
        %dma_start3A_499 = arith.constant 0 : i32
        %dma_start3A_500 = arith.constant 0 : i32
        %dma_start3A_501 = tpu.memref_slice %arg7[%dma_start3A_499, %dma_start3A_500] : memref<1280x32xf32, #tpu.memory_space<vmem>> -> memref<128x32xf32, #tpu.memory_space<vmem>>
        %dma_start3A_502 = arith.constant 0 : i32
        %dma_start3A_503 = tpu.memref_slice %arg5[%dma_start3A_498, %dma_start3A_502] : memref<10x128xi32, #tpu.memory_space<vmem>> -> memref<1x128xi32, #tpu.memory_space<vmem>>
        %dma_start3A_504 = tpu.memref_squeeze %dma_start3A_503 : memref<1x128xi32, #tpu.memory_space<vmem>> -> memref<128xi32, #tpu.memory_space<vmem>>
        %dma_start3A_505 = arith.constant 0 : i32
        %dma_start3A_506 = arith.constant 0 : i32
        %dma_start3A_507 = tpu.memref_slice %arg3[%dma_start3A_505, %dma_start3A_506] : memref<1000000x32xf32, #tpu.memory_space<hbm>> -> memref<1000000x32xf32, #tpu.memory_space<hbm>>
        tpu.enqueue_indirect_dma source(%dma_start3A_507 : memref<1000000x32xf32, #tpu.memory_space<hbm>>) target(%dma_start3A_501 : memref<128x32xf32, #tpu.memory_space<vmem>>) offsets(%dma_start3A_504 : memref<128xi32, #tpu.memory_space<vmem>>) semaphore(%arg11 : memref<!tpu.dma_semaphore, #tpu.memory_space<semaphore_mem>>)
        %dma_start3A_508 = arith.constant 1 : i32
        %dma_start3A_509 = arith.constant 128 : i32
        %dma_start3A_510 = arith.constant 0 : i32
        %dma_start3A_511 = tpu.memref_slice %arg7[%dma_start3A_509, %dma_start3A_510] : memref<1280x32xf32, #tpu.memory_space<vmem>> -> memref<128x32xf32, #tpu.memory_space<vmem>>
        %dma_start3A_512 = arith.constant 0 : i32
        %dma_start3A_513 = tpu.memref_slice %arg5[%dma_start3A_508, %dma_start3A_512] : memref<10x128xi32, #tpu.memory_space<vmem>> -> memref<1x128xi32, #tpu.memory_space<vmem>>
        %dma_start3A_514 = tpu.memref_squeeze %dma_start3A_513 : memref<1x128xi32, #tpu.memory_space<vmem>> -> memref<128xi32, #tpu.memory_space<vmem>>
        %dma_start3A_515 = arith.constant 0 : i32
        %dma_start3A_516 = arith.constant 0 : i32
        %dma_start3A_517 = tpu.memref_slice %arg3[%dma_start3A_515, %dma_start3A_516] : memref<1000000x32xf32, #tpu.memory_space<hbm>> -> memref<1000000x32xf32, #tpu.memory_space<hbm>>
        tpu.enqueue_indirect_dma source(%dma_start3A_517 : memref<1000000x32xf32, #tpu.memory_space<hbm>>) target(%dma_start3A_511 : memref<128x32xf32, #tpu.memory_space<vmem>>) offsets(%dma_start3A_514 : memref<128xi32, #tpu.memory_space<vmem>>) semaphore(%arg11 : memref<!tpu.dma_semaphore, #tpu.memory_space<semaphore_mem>>)
        %dma_start3A_518 = arith.constant 2 : i32
        %dma_start3A_519 = arith.constant 256 : i32
        %dma_start3A_520 = arith.constant 0 : i32
        %dma_start3A_521 = tpu.memref_slice %arg7[%dma_start3A_519, %dma_start3A_520] : memref<1280x32xf32, #tpu.memory_space<vmem>> -> memref<128x32xf32, #tpu.memory_space<vmem>>
        %dma_start3A_522 = arith.constant 0 : i32
        %dma_start3A_523 = tpu.memref_slice %arg5[%dma_start3A_518, %dma_start3A_522] : memref<10x128xi32, #tpu.memory_space<vmem>> -> memref<1x128xi32, #tpu.memory_space<vmem>>
        %dma_start3A_524 = tpu.memref_squeeze %dma_start3A_523 : memref<1x128xi32, #tpu.memory_space<vmem>> -> memref<128xi32, #tpu.memory_space<vmem>>
        %dma_start3A_525 = arith.constant 0 : i32
        %dma_start3A_526 = arith.constant 0 : i32
        %dma_start3A_527 = tpu.memref_slice %arg3[%dma_start3A_525, %dma_start3A_526] : memref<1000000x32xf32, #tpu.memory_space<hbm>> -> memref<1000000x32xf32, #tpu.memory_space<hbm>>
        tpu.enqueue_indirect_dma source(%dma_start3A_527 : memref<1000000x32xf32, #tpu.memory_space<hbm>>) target(%dma_start3A_521 : memref<128x32xf32, #tpu.memory_space<vmem>>) offsets(%dma_start3A_524 : memref<128xi32, #tpu.memory_space<vmem>>) semaphore(%arg11 : memref<!tpu.dma_semaphore, #tpu.memory_space<semaphore_mem>>)
        %dma_start3A_528 = arith.constant 3 : i32
        %dma_start3A_529 = arith.constant 384 : i32
        %dma_start3A_530 = arith.constant 0 : i32
        %dma_start3A_531 = tpu.memref_slice %arg7[%dma_start3A_529, %dma_start3A_530] : memref<1280x32xf32, #tpu.memory_space<vmem>> -> memref<128x32xf32, #tpu.memory_space<vmem>>
        %dma_start3A_532 = arith.constant 0 : i32
        %dma_start3A_533 = tpu.memref_slice %arg5[%dma_start3A_528, %dma_start3A_532] : memref<10x128xi32, #tpu.memory_space<vmem>> -> memref<1x128xi32, #tpu.memory_space<vmem>>
        %dma_start3A_534 = tpu.memref_squeeze %dma_start3A_533 : memref<1x128xi32, #tpu.memory_space<vmem>> -> memref<128xi32, #tpu.memory_space<vmem>>
        %dma_start3A_535 = arith.constant 0 : i32
        %dma_start3A_536 = arith.constant 0 : i32
        %dma_start3A_537 = tpu.memref_slice %arg3[%dma_start3A_535, %dma_start3A_536] : memref<1000000x32xf32, #tpu.memory_space<hbm>> -> memref<1000000x32xf32, #tpu.memory_space<hbm>>
        tpu.enqueue_indirect_dma source(%dma_start3A_537 : memref<1000000x32xf32, #tpu.memory_space<hbm>>) target(%dma_start3A_531 : memref<128x32xf32, #tpu.memory_space<vmem>>) offsets(%dma_start3A_534 : memref<128xi32, #tpu.memory_space<vmem>>) semaphore(%arg11 : memref<!tpu.dma_semaphore, #tpu.memory_space<semaphore_mem>>)
        %dma_start3A_538 = arith.constant 4 : i32
        %dma_start3A_539 = arith.constant 512 : i32
        %dma_start3A_540 = arith.constant 0 : i32
        %dma_start3A_541 = tpu.memref_slice %arg7[%dma_start3A_539, %dma_start3A_540] : memref<1280x32xf32, #tpu.memory_space<vmem>> -> memref<128x32xf32, #tpu.memory_space<vmem>>
        %dma_start3A_542 = arith.constant 0 : i32
        %dma_start3A_543 = tpu.memref_slice %arg5[%dma_start3A_538, %dma_start3A_542] : memref<10x128xi32, #tpu.memory_space<vmem>> -> memref<1x128xi32, #tpu.memory_space<vmem>>
        %dma_start3A_544 = tpu.memref_squeeze %dma_start3A_543 : memref<1x128xi32, #tpu.memory_space<vmem>> -> memref<128xi32, #tpu.memory_space<vmem>>
        %dma_start3A_545 = arith.constant 0 : i32
        %dma_start3A_546 = arith.constant 0 : i32
        %dma_start3A_547 = tpu.memref_slice %arg3[%dma_start3A_545, %dma_start3A_546] : memref<1000000x32xf32, #tpu.memory_space<hbm>> -> memref<1000000x32xf32, #tpu.memory_space<hbm>>
        tpu.enqueue_indirect_dma source(%dma_start3A_547 : memref<1000000x32xf32, #tpu.memory_space<hbm>>) target(%dma_start3A_541 : memref<128x32xf32, #tpu.memory_space<vmem>>) offsets(%dma_start3A_544 : memref<128xi32, #tpu.memory_space<vmem>>) semaphore(%arg11 : memref<!tpu.dma_semaphore, #tpu.memory_space<semaphore_mem>>)
        %dma_start3A_548 = arith.constant 5 : i32
        %dma_start3A_549 = arith.constant 640 : i32
        %dma_start3A_550 = arith.constant 0 : i32
        %dma_start3A_551 = tpu.memref_slice %arg7[%dma_start3A_549, %dma_start3A_550] : memref<1280x32xf32, #tpu.memory_space<vmem>> -> memref<128x32xf32, #tpu.memory_space<vmem>>
        %dma_start3A_552 = arith.constant 0 : i32
        %dma_start3A_553 = tpu.memref_slice %arg5[%dma_start3A_548, %dma_start3A_552] : memref<10x128xi32, #tpu.memory_space<vmem>> -> memref<1x128xi32, #tpu.memory_space<vmem>>
        %dma_start3A_554 = tpu.memref_squeeze %dma_start3A_553 : memref<1x128xi32, #tpu.memory_space<vmem>> -> memref<128xi32, #tpu.memory_space<vmem>>
        %dma_start3A_555 = arith.constant 0 : i32
        %dma_start3A_556 = arith.constant 0 : i32
        %dma_start3A_557 = tpu.memref_slice %arg3[%dma_start3A_555, %dma_start3A_556] : memref<1000000x32xf32, #tpu.memory_space<hbm>> -> memref<1000000x32xf32, #tpu.memory_space<hbm>>
        tpu.enqueue_indirect_dma source(%dma_start3A_557 : memref<1000000x32xf32, #tpu.memory_space<hbm>>) target(%dma_start3A_551 : memref<128x32xf32, #tpu.memory_space<vmem>>) offsets(%dma_start3A_554 : memref<128xi32, #tpu.memory_space<vmem>>) semaphore(%arg11 : memref<!tpu.dma_semaphore, #tpu.memory_space<semaphore_mem>>)
        %dma_start3A_558 = arith.constant 6 : i32
        %dma_start3A_559 = arith.constant 768 : i32
        %dma_start3A_560 = arith.constant 0 : i32
        %dma_start3A_561 = tpu.memref_slice %arg7[%dma_start3A_559, %dma_start3A_560] : memref<1280x32xf32, #tpu.memory_space<vmem>> -> memref<128x32xf32, #tpu.memory_space<vmem>>
        %dma_start3A_562 = arith.constant 0 : i32
        %dma_start3A_563 = tpu.memref_slice %arg5[%dma_start3A_558, %dma_start3A_562] : memref<10x128xi32, #tpu.memory_space<vmem>> -> memref<1x128xi32, #tpu.memory_space<vmem>>
        %dma_start3A_564 = tpu.memref_squeeze %dma_start3A_563 : memref<1x128xi32, #tpu.memory_space<vmem>> -> memref<128xi32, #tpu.memory_space<vmem>>
        %dma_start3A_565 = arith.constant 0 : i32
        %dma_start3A_566 = arith.constant 0 : i32
        %dma_start3A_567 = tpu.memref_slice %arg3[%dma_start3A_565, %dma_start3A_566] : memref<1000000x32xf32, #tpu.memory_space<hbm>> -> memref<1000000x32xf32, #tpu.memory_space<hbm>>
        tpu.enqueue_indirect_dma source(%dma_start3A_567 : memref<1000000x32xf32, #tpu.memory_space<hbm>>) target(%dma_start3A_561 : memref<128x32xf32, #tpu.memory_space<vmem>>) offsets(%dma_start3A_564 : memref<128xi32, #tpu.memory_space<vmem>>) semaphore(%arg11 : memref<!tpu.dma_semaphore, #tpu.memory_space<semaphore_mem>>)
        %dma_start3A_568 = arith.constant 7 : i32
        %dma_start3A_569 = arith.constant 896 : i32
        %dma_start3A_570 = arith.constant 0 : i32
        %dma_start3A_571 = tpu.memref_slice %arg7[%dma_start3A_569, %dma_start3A_570] : memref<1280x32xf32, #tpu.memory_space<vmem>> -> memref<128x32xf32, #tpu.memory_space<vmem>>
        %dma_start3A_572 = arith.constant 0 : i32
        %dma_start3A_573 = tpu.memref_slice %arg5[%dma_start3A_568, %dma_start3A_572] : memref<10x128xi32, #tpu.memory_space<vmem>> -> memref<1x128xi32, #tpu.memory_space<vmem>>
        %dma_start3A_574 = tpu.memref_squeeze %dma_start3A_573 : memref<1x128xi32, #tpu.memory_space<vmem>> -> memref<128xi32, #tpu.memory_space<vmem>>
        %dma_start3A_575 = arith.constant 0 : i32
        %dma_start3A_576 = arith.constant 0 : i32
        %dma_start3A_577 = tpu.memref_slice %arg3[%dma_start3A_575, %dma_start3A_576] : memref<1000000x32xf32, #tpu.memory_space<hbm>> -> memref<1000000x32xf32, #tpu.memory_space<hbm>>
        tpu.enqueue_indirect_dma source(%dma_start3A_577 : memref<1000000x32xf32, #tpu.memory_space<hbm>>) target(%dma_start3A_571 : memref<128x32xf32, #tpu.memory_space<vmem>>) offsets(%dma_start3A_574 : memref<128xi32, #tpu.memory_space<vmem>>) semaphore(%arg11 : memref<!tpu.dma_semaphore, #tpu.memory_space<semaphore_mem>>)
        %dma_start3A_578 = arith.constant 8 : i32
        %dma_start3A_579 = arith.constant 1024 : i32
        %dma_start3A_580 = arith.constant 0 : i32
        %dma_start3A_581 = tpu.memref_slice %arg7[%dma_start3A_579, %dma_start3A_580] : memref<1280x32xf32, #tpu.memory_space<vmem>> -> memref<128x32xf32, #tpu.memory_space<vmem>>
        %dma_start3A_582 = arith.constant 0 : i32
        %dma_start3A_583 = tpu.memref_slice %arg5[%dma_start3A_578, %dma_start3A_582] : memref<10x128xi32, #tpu.memory_space<vmem>> -> memref<1x128xi32, #tpu.memory_space<vmem>>
        %dma_start3A_584 = tpu.memref_squeeze %dma_start3A_583 : memref<1x128xi32, #tpu.memory_space<vmem>> -> memref<128xi32, #tpu.memory_space<vmem>>
        %dma_start3A_585 = arith.constant 0 : i32
        %dma_start3A_586 = arith.constant 0 : i32
        %dma_start3A_587 = tpu.memref_slice %arg3[%dma_start3A_585, %dma_start3A_586] : memref<1000000x32xf32, #tpu.memory_space<hbm>> -> memref<1000000x32xf32, #tpu.memory_space<hbm>>
        tpu.enqueue_indirect_dma source(%dma_start3A_587 : memref<1000000x32xf32, #tpu.memory_space<hbm>>) target(%dma_start3A_581 : memref<128x32xf32, #tpu.memory_space<vmem>>) offsets(%dma_start3A_584 : memref<128xi32, #tpu.memory_space<vmem>>) semaphore(%arg11 : memref<!tpu.dma_semaphore, #tpu.memory_space<semaphore_mem>>)
        %dma_start3A_588 = arith.constant 9 : i32
        %dma_start3A_589 = arith.constant 1152 : i32
        %dma_start3A_590 = arith.constant 0 : i32
        %dma_start3A_591 = tpu.memref_slice %arg7[%dma_start3A_589, %dma_start3A_590] : memref<1280x32xf32, #tpu.memory_space<vmem>> -> memref<128x32xf32, #tpu.memory_space<vmem>>
        %dma_start3A_592 = arith.constant 0 : i32
        %dma_start3A_593 = tpu.memref_slice %arg5[%dma_start3A_588, %dma_start3A_592] : memref<10x128xi32, #tpu.memory_space<vmem>> -> memref<1x128xi32, #tpu.memory_space<vmem>>
        %dma_start3A_594 = tpu.memref_squeeze %dma_start3A_593 : memref<1x128xi32, #tpu.memory_space<vmem>> -> memref<128xi32, #tpu.memory_space<vmem>>
        %dma_start3A_595 = arith.constant 0 : i32
        %dma_start3A_596 = arith.constant 0 : i32
        %dma_start3A_597 = tpu.memref_slice %arg3[%dma_start3A_595, %dma_start3A_596] : memref<1000000x32xf32, #tpu.memory_space<hbm>> -> memref<1000000x32xf32, #tpu.memory_space<hbm>>
        tpu.enqueue_indirect_dma source(%dma_start3A_597 : memref<1000000x32xf32, #tpu.memory_space<hbm>>) target(%dma_start3A_591 : memref<128x32xf32, #tpu.memory_space<vmem>>) offsets(%dma_start3A_594 : memref<128xi32, #tpu.memory_space<vmem>>) semaphore(%arg11 : memref<!tpu.dma_semaphore, #tpu.memory_space<semaphore_mem>>)
      } else {
      }
      %mul3A_482 = arith.constant 10 : i32
      %mul3A_483 = arith.muli %add3A_370, %mul3A_482 : i32
      %add3A_484 = arith.addi %mul3A_2, %mul3A_483 : i32
      %mul3A_485 = arith.constant 128 : i32
      %mul3A_486 = arith.muli %add3A_484, %mul3A_485 : i32
      %dma_start3A_487 = arith.constant 0 : i32
      %dma_start3A_488 = tpu.memref_slice %arg4[%mul3A_486, %dma_start3A_487] : memref<819200x32xf32, #tpu.memory_space<hbm>> -> memref<1280x32xf32, #tpu.memory_space<hbm>>
      %dma_start3A_489 = arith.constant 0 : i32
      %dma_start3A_490 = tpu.memref_slice %arg4[%mul3A_486, %dma_start3A_489] : memref<819200x32xf32, #tpu.memory_space<hbm>> -> memref<1280x32xf32, #tpu.memory_space<hbm>>
      tpu.enqueue_dma source(%arg8 : memref<1280x32xf32, #tpu.memory_space<vmem>>) target(%dma_start3A_490 : memref<1280x32xf32, #tpu.memory_space<hbm>>) target_semaphore(%arg14 : memref<!tpu.dma_semaphore, #tpu.memory_space<semaphore_mem>>)
      %add3A_491 = arith.constant 2 : i32
      %add3A_492 = arith.addi %add3A_370, %add3A_491 : i32
      %lt3A_493 = arith.constant 20 : i32
      %lt3A_494 = arith.cmpi slt, %add3A_492, %lt3A_493 : i32
      %convert_element_type3A_495 = arith.extui %lt3A_494 : i1 to i32
      %cond3A_496 = arith.constant 0 : i32
      %cond3A_497 = arith.cmpi ne, %convert_element_type3A_495, %cond3A_496 : i32
      scf.if %cond3A_497 {
        %add3A_498 = arith.constant 2 : i32
        %add3A_499 = arith.addi %add3A_370, %add3A_498 : i32
        %mul3A_500 = arith.constant 10 : i32
        %mul3A_501 = arith.muli %add3A_499, %mul3A_500 : i32
        %add3A_502 = arith.addi %mul3A_2, %mul3A_501 : i32
        %dma_start3A_503 = arith.constant 0 : i32
        %dma_start3A_504 = tpu.memref_slice %arg2[%add3A_502, %dma_start3A_503] : memref<6400x128xi32, #tpu.memory_space<hbm>> -> memref<10x128xi32, #tpu.memory_space<hbm>>
        %dma_start3A_505 = arith.constant 0 : i32
        %dma_start3A_506 = tpu.memref_slice %arg2[%add3A_502, %dma_start3A_505] : memref<6400x128xi32, #tpu.memory_space<hbm>> -> memref<10x128xi32, #tpu.memory_space<hbm>>
        tpu.enqueue_dma source(%dma_start3A_506 : memref<10x128xi32, #tpu.memory_space<hbm>>) target(%arg6 : memref<10x128xi32, #tpu.memory_space<vmem>>) target_semaphore(%arg10 : memref<!tpu.dma_semaphore, #tpu.memory_space<semaphore_mem>>)
      } else {
      }
    }
    %scan3A_123 = arith.constant 10 : i32
    %add3A_124 = arith.constant 0 : i32
    %add3A_125 = arith.addi %mul3A_2, %add3A_124 : i32
    %mul3A_126 = arith.constant 128 : i32
    %mul3A_127 = arith.muli %add3A_125, %mul3A_126 : i32
    %dma_wait3A_128 = arith.constant 0 : i32
    %dma_wait3A_129 = tpu.memref_slice %arg4[%mul3A_127, %dma_wait3A_128] : memref<819200x32xf32, #tpu.memory_space<hbm>> -> memref<1280x32xf32, #tpu.memory_space<hbm>>
    %dma_wait3A_130 = arith.constant 0 : i32
    %dma_wait3A_131 = tpu.memref_slice %arg4[%mul3A_127, %dma_wait3A_130] : memref<819200x32xf32, #tpu.memory_space<hbm>> -> memref<1280x32xf32, #tpu.memory_space<hbm>>
    tpu.wait_dma2 semaphore(%arg14 : memref<!tpu.dma_semaphore, #tpu.memory_space<semaphore_mem>>) src(%dma_wait3A_131 : memref<1280x32xf32, #tpu.memory_space<hbm>>) dst(%arg8 : memref<1280x32xf32, #tpu.memory_space<vmem>>)
    return
  }
}

</mosaic_0001>

<sc_bundles>
// kernel: _lookup.3.cloned.1.call-start
scs
__scs_entry_jumppad:
0x0: {  	(pc) =	sbr.rel $0x88, $3  }
0x1: {  	(tag) =	ssettag $0x0;
	lr =	simm.s32 $0x1  }
0x2: {  	[smem:$0x3F9F] =	sst lr;
	_ =	strace $0xD0000000  }
0x3: {  	_ = 	snop  }
0x4: {  	_ = 	snop  }
0x5: {  	_ = 	snop  }
0x6: {  	_ = 	snop  }
0x7: {  	_ = 	snop  }
__scs_overlays_trampoline_lowered:
0x8: {  	[smem:$0x3FAE] =	sst s0  }
0x9: {  	[smem:$0x3FAF] =	sst s1  }
0xa: {  	[smem:$0x3FB0] =	sst s2  }
0xb: {  	[smem:$0x3FB1] =	sst s3  }
0xc: {  	[smem:$0x3FB2] =	sst s4  }
0xd: {  	[smem:$0x3FB3] =	sst s5  }
0xe: {  	[smem:$0x3FB4] =	sst s6  }
0xf: {  	[smem:$0x3FB5] =	sst s7  }
0x10: {  	[smem:$0x3FB6] =	sst s8  }
0x11: {  	[smem:$0x3FB7] =	sst s9;
	s0 =	simm.s32 @!p0 $0x0  }
0x12: {  	s1 =	sld [smem:$0x3F9D];
	s0 =	simm.s32 @p0 $0x1  }
0x13: {  	[smem:$0x3FB8] =	sst s0;
	s0 =	simm.s32 @!p1 $0x0  }
0x14: {  	s2 =	sld [smem:$0x3F9C];
	s0 =	simm.s32 @p1 $0x1  }
0x15: {  	[smem:$0x3FB9] =	sst s0;
	s0 =	simm.s32 @!p2 $0x0  }
0x16: {  	s3 =	sld [smem:$0x3FDB];
	s0 =	simm.s32 @p2 $0x1  }
0x17: {  	s4 =	simm.s32 $0x1BF5;
	[smem:$0x3FBB] =	sst s0  }
0x18: {  	s0 =	sld [smem:$0x3F9E];
	_ =	swait.ge [sflag:s4], $0x0  }
0x19: {  	s7 =	sld [smem:$0x3F9F]  }
0x1a: {  	s8 =	sadd.s32 $0xFFFFE003, lr  }
0x1b: {  	s9 =	sadd.s32 $0xFFFFFEF7, lr;
	s5 =	simm.s32 $0xFFFFFFFF;
	p2 =	slt.u32 s8, $0xFFFFF086  }
0x1c: {  	p1 =	slt.u32 s9, $0xF7A;
	s5 =	simm.s32 @!p2 $0x0  }
0x1d: {  	s5 =	simm.s32 @p1 $0x1;
	p0 =	seq.s32 s7, s2  }
0x1e: {  	s7 =	smul.u32 @!p0 $0xF7A, s2;
	p2 =	seq.s32 @!p0 s5, $0x0  }
0x1f: {  	s9 =	smul.u32 $0xF7A, s1;
	s8 =	simm.s32 @!p0 $0x1BF5;
	p2 =	por !p2, p0  }
0x20: {  	[sflag:s8] =	ssyncset.s32 @!p0 $0xFFFFF086;
	s6 =	sadd.s32 @!p0 s3, s7;
	s7 =	simm.s32 @!p0 $0x108  }
0x21: {  	s3 =	sadd.s32 s3, s9;
	s6 =	sadd.s32 @!p0 $0x88, s6;
	s7 =	simm.s32 @p2 $0x1082  }
0x22: {  	[simem:s7], [sflag:s8] =	dma.local @!p0 [hbm:s6], $0xF7A  }
0x23: {  	s9 =	sor.u32 $0xD0000000, s2;
	s6 =	simm.s32 $0x108;
	_ =	swait.ge @!p0 [sflag:s8], $0x0  }
0x24: {  	s3 =	sadd.s32 $0x88, s3;
	s6 =	simm.s32 @!p1 $0x1082;
	[sflag:s4] =	ssyncset.s32 $0xFFFFF086  }
0x25: {  	[simem:s6], [sflag:s4] =	dma.local [hbm:s3], $0xF7A  }
0x26: {  	[smem:$0x3F9F] =	sst s1;
	(tag) =	ssettag s2;
	_ =	strace s9  }
0x27: {  	s1 =	sld [smem:$0x3FAF]  }
0x28: {  	s2 =	sld [smem:$0x3FB0]  }
0x29: {  	s4 =	sld [smem:$0x3FB2]  }
0x2a: {  	p0 =	seq.s32 s5, $0x0;
	s5 =	sld [smem:$0x3FB3]  }
0x2b: {  	s6 =	sld [smem:$0x3FB4]  }
0x2c: {  	s7 =	sld [smem:$0x3FB5]  }
0x2d: {  	s3 =	simm.s32 $0x108;
	s8 =	sld [smem:$0x3FB6]  }
0x2e: {  	s3 =	simm.s32 @!p0 $0x1082;
	s9 =	sld [smem:$0x3FB7]  }
0x2f: {  	lr =	sadd.s32 s0, s3;
	s0 =	sld [smem:$0x3FAE]  }
0x30: {  	s3 =	sld [smem:$0x3FB1]  }
0x31: {  	[smem:$0x3FBA] =	sst s10  }
0x32: {  	s10 =	sld [smem:$0x3FB8];
	_ =	sdelay $0x3  }
0x33: {  	p0 =	seq.s32 s10, $0x1;
	s10 =	sld [smem:$0x3FBA];
	_ =	sdelay $0x3  }
0x34: {  	[smem:$0x3FBA] =	sst s10  }
0x35: {  	s10 =	sld [smem:$0x3FB9];
	_ =	sdelay $0x3  }
0x36: {  	p1 =	seq.s32 s10, $0x1;
	s10 =	sld [smem:$0x3FBA];
	_ =	sdelay $0x3  }
0x37: {  	[smem:$0x3FBA] =	sst s10  }
0x38: {  	s10 =	sld [smem:$0x3FBB]  }
0x39: {  	_ = 	snop;
	(pc) =	sbr.ind lr, $3  }
0x3a: {  	_ = 	snop  }
0x3b: {  	_ = 	snop  }
0x3c: {  	p2 =	seq.s32 s10, $0x1;
	s10 =	sld [smem:$0x3FBA]  }
0x3d: {  	_ =	shalt  }
0x3e: {  	_ =	shalt  }
0x3f: {  	_ =	shalt  }
0x40: {  	_ =	shalt  }
0x41: {  	_ =	shalt  }
0x42: {  	_ =	shalt  }
0x43: {  	_ =	shalt  }
0x44: {  	_ =	shalt  }
0x45: {  	_ =	shalt  }
0x46: {  	_ =	shalt  }
0x47: {  	_ =	shalt  }
0x48: {  	_ =	shalt  }
0x49: {  	_ =	shalt  }
0x4a: {  	_ =	shalt  }
0x4b: {  	_ =	shalt  }
0x4c: {  	_ =	shalt  }
0x4d: {  	_ =	shalt  }
0x4e: {  	_ =	shalt  }
0x4f: {  	_ =	shalt  }
0x50: {  	_ =	shalt  }
0x51: {  	_ =	shalt  }
0x52: {  	_ =	shalt  }
0x53: {  	_ =	shalt  }
0x54: {  	_ =	shalt  }
0x55: {  	_ =	shalt  }
0x56: {  	_ =	shalt  }
0x57: {  	_ =	shalt  }
0x58: {  	_ =	shalt  }
0x59: {  	_ =	shalt  }
0x5a: {  	_ =	shalt  }
0x5b: {  	_ =	shalt  }
0x5c: {  	_ =	shalt  }
0x5d: {  	_ =	shalt  }
0x5e: {  	_ =	shalt  }
0x5f: {  	_ =	shalt  }
0x60: {  	_ =	shalt  }
0x61: {  	_ =	shalt  }
0x62: {  	_ =	shalt  }
0x63: {  	_ =	shalt  }
0x64: {  	_ =	shalt  }
0x65: {  	_ =	shalt  }
0x66: {  	_ =	shalt  }
0x67: {  	_ =	shalt  }
0x68: {  	_ =	shalt  }
0x69: {  	_ =	shalt  }
0x6a: {  	_ =	shalt  }
0x6b: {  	_ =	shalt  }
0x6c: {  	_ =	shalt  }
0x6d: {  	_ =	shalt  }
0x6e: {  	_ =	shalt  }
0x6f: {  	_ =	shalt  }
0x70: {  	_ =	shalt  }
0x71: {  	_ =	shalt  }
0x72: {  	_ =	shalt  }
0x73: {  	_ =	shalt  }
0x74: {  	_ =	shalt  }
0x75: {  	_ =	shalt  }
0x76: {  	_ =	shalt  }
0x77: {  	_ =	shalt  }
0x78: {  	_ =	shalt  }
0x79: {  	_ =	shalt  }
0x7a: {  	_ =	shalt  }
0x7b: {  	_ =	shalt  }
0x7c: {  	_ =	shalt  }
0x7d: {  	_ =	shalt  }
0x7e: {  	_ =	shalt  }
0x7f: {  	_ =	shalt  }
0x80: {  	_ =	shalt  }
0x81: {  	_ =	shalt  }
0x82: {  	_ =	shalt  }
0x83: {  	_ =	shalt  }
0x84: {  	_ =	shalt  }
0x85: {  	_ =	shalt  }
0x86: {  	_ =	shalt  }
0x87: {  	_ =	shalt  }
.Lfunc_end0:
.L_simem_size_0:
called_computation.1_lowered:
.L_overlay_start_0:
0x88: {  	s2 =	sld [smem:$0x3FD9]  }
0x89: {  	s3 =	sld [smem:$0x3FFE];
	_ =	sdelay $0x1  }
0x8a: {  	s1 =	srdreg.scid  }
0x8b: {  	s0 =	sand.u32 $0x1, s1  }
0x8c: {  	s17 =	sshll.u32 s0, $0xA;
	s2 =	sadd.s32 s3, s2  }
0x8d: {  	s2 =	sadd.s32 s2, s17  }
0x8e: {  	[smem:$0x3FC6] =	sst s2  }
0x8f: {  	_ = 	snop  }
0x90: {  	s2 =	sld [smem:$0x3FC9]  }
0x91: {  	s18 =	sld [smem:$0x3FD0];
	(tm) =	ssettm $0x1  }
0x92: {  	s4 =	sld [smem:$0x3FFB];
	_ =	sdelay $0x3  }
0x93: {  	_ =	strace s4  }
0x94: {  	s4 =	sld [smem:$0x3FFC];
	_ =	sdelay $0x3  }
0x95: {  	_ =	strace s4  }
0x96: {  	s4 =	sld [smem:$0x3FFD];
	_ =	sdelay $0x3  }
0x97: {  	_ =	strace s4  }
0x98: {  	_ =	strace $0x8FFFFFFF  }
0x99: {  	s19 =	sld [smem:$0x3FDB];
	_ =	sdelay $0x1  }
0x9a: {  	s5 =	simm.s32 $_scs_section_size  }
0x9b: {  	s6 =	simm.s32 $_size__tile_overlayer_lowered;
	s7 =	simm.s32 $_tile_overlayer_lowered  }
0x9c: {  	s22 =	simm.s32 $0x1BFF;
	s21 =	sshll.u32 s7, $0x1;
	s4 =	sadd.s32 s5, s19  }
0x9d: {  	s8 =	simm.s32 $0x0;
	s20 =	sshll.u32 s6, $0x1;
	s6 =	sadd.s32 s21, s4  }
0x9e: {  	[timem:s8], [sflag:s22] =	dma.local [hbm:s6], s20  }
0x9f: {  	_ =	swait.ge [sflag:s22], s20  }
0xa0: {  	s5 =	ssub.s32 $0x0, s20;
	[sflag:s22] =	ssyncset.done $0x0  }
0xa1: {  	[sflag:s22] =	ssyncadd.s32 s5;
	_ =	sdelay $0x1  }
0xa2: {  	s23 =	simm.s32 $0x1B8B  }
0xa3: {  	_ =	swait.ge [sflag:s23], $0x1  }
0xa4: {  	[sflag:s23] =	ssyncset.done $0x0  }
0xa5: {  	s25 =	simm.s32 $0x1B8E;
	s24 =	sld [smem:$0x3FFE];
	[sflag:s23] =	ssyncadd.s32 $0xFFFFFFFF  }
0xa6: {  	s26 =	simm.s32 $execute0_lowered;
	[smem:$0x3FD2] =	sst s25  }
0xa7: {  	s6 =	sshll.u32 s26, $0x1;
	_ =	strace $0x80000046;
	[dreg:$0x1] =	wrdreg $0xFFFFFFFF  }
0xa8: {  	s28 =	simm.s32 $_size_execute0_lowered;
	s4 =	sadd.s32 s4, s6;
	[dreg:$0x0] =	wrdreg $0x0  }
0xa9: {  	s6 =	sshll.u32 s28, $0x1;
	[dreg:$0x2] =	wrdreg s4  }
0xaa: {  	[dreg:$0x3] =	wrdreg s6  }
0xab: {  	[dreg:$0x4] =	wrdreg $0xC0  }
0xac: {  	_ =	task [dreg:s8], $0x5FFFF  }
0xad: {  	[dreg:$0x1] =	wrdreg $0xFFFFFFFF  }
0xae: {  	[dreg:$0x0] =	wrdreg $0x60  }
0xaf: {  	[dreg:$0x2] =	wrdreg s2  }
0xb0: {  	[dreg:$0x3] =	wrdreg s24  }
0xb1: {  	[dreg:$0x4] =	wrdreg s18  }
0xb2: {  	[dreg:$0x5] =	wrdreg $0x9  }
0xb3: {  	_ =	task.clear_ibuf [dreg:s8], $0x6FFFF;
	_ =	strace $0x90000046  }
0xb4: {  	s29 =	simm.s32 $0x9;
	_ =	strace $0x80000048  }
0xb5: {  	_ =	swait.ge [sflag:s29], $0x1  }
0xb6: {  	[sflag:s29] =	ssyncadd.s32 $0xFFFFFFFF  }
0xb7: {  	_ =	strace $0x90000048  }
0xb8: {  	_ =	sfence  }
0xb9: {  	s30 =	sld [smem:$0x0];
	_ =	sdelay $0x2  }
0xba: {  	s31 =	sshll.u32 s1, $0xD;
	s1 =	sshrl.u32 s1, $0x2  }
0xbb: {  	s3 =	sand.u32 $0x4000, s31;
	s1 =	sadd.s32 s1, s30  }
0xbc: {  	s0 =	sor.u32 s3, s0;
	s1 =	sshll.u32 s1, $0x11  }
0xbd: {  	s0 =	sor.u32 s1, s0  }
0xbe: {  	s0 =	sadd.s32 $0x8F2B, s0  }
0xbf: {  	[sflag:s0] =	ssyncadd.remote.s32 $0x1  }
0xc0: {  	_ =	sfence.sel $0xFFFF  }
0xc1: {  	[dreg:$0x0] =	wrdreg $0xFFFFFFFF;
	(pc) =	sbr.abs _section_cstart, $3  }
0xc2: {  	[dreg:$0x1] =	wrdreg $0xFFFFFFFF  }
0xc3: {  	_ =	task.clear_ibuf [dreg:s8], $0x2FFFF;
	_ =	strace $0x9FFFFFFF  }
0xc4: {  	(tm) =	ssettm $0x7FFFFFFF  }
0xc5: {  	_ =	shalt  }
tec
execute0_lowered:
.L_overlay_start_1:
0x0: {  	(tag) =	ssettag $0x1  }
0x1: {  	s0 =	rddreg [dreg:$0x0]  }
0x2: {  	s1 =	rddreg [dreg:$0x1];
	s2 =	srdreg.scid  }
0x3: {  	s11 =	stileid.u32;
	s4 =	rddreg [dreg:$0x2]  }
0x4: {  	s13 =	simm.s32 $0x80;
	s14 =	simm.s32 $0xA00;
	s15 =	simm.s32 $0x680  }
0x5: {  	s16 =	simm.s32 $0xDA00;
	s17 =	simm.s32 $0x700;
	s18 =	simm.s32 $0xEA00  }
0x6: {  	s19 =	simm.s32 $0x780;
	s20 =	simm.s32 $0xFA00;
	s28 =	simm.s32 $0x980  }
0x7: {  	s29 =	simm.s32 $0x13A00;
	s30 =	simm.s32 $0x4;
	s8 =	smul.u32 $0x190, s11  }
0x8: {  	s5 =	sand.u32 $0x1, s2;
	s3 =	sshll.u32 s11, $0x1;
	s24 =	smul.u32 $0x32000, s11  }
0x9: {  	s2 =	simm.s32 $0x0;
	s11 =	simm.s32 $0x500;
	s9 =	smul.u32 $0xC8, s5  }
0xa: {  	s6 =	sor.u32 s5, s3;
	s21 =	ssub.s32 $0x2, s5;
	s5 =	smul.u32 $0x19000, s5  }
0xb: {  	[smem:$0x7FF] =	sst s2;
	s3 =	sadd.s32 $0xF42C00, s1;
	s7 =	smul.u32 $0x6400, s6  }
0xc: {  	_ =	strace $0x80000047;
	s10 =	sshrl.u32 s21, $0x1;
	s6 =	smul.u32 $0xC80, s6  }
0xd: {  	s1 =	ssub.s32 s21, s10;
	s8 =	sadd.s32 s9, s8;
	s21 =	simm.s32 $0x800  }
0xe: {  	s10 =	simm.s32 $0x0;
	s7 =	sshrl.u32 s7, $0x3;
	s6 =	sadd.s32 s0, s6  }
0xf: {  	s23 =	sshll.u32 s8, $0x4;
	s1 =	smax.u32 s1, $0x1;
	[dreg:$0x4] =	wrdreg s6  }
0x10: {  	s25 =	sshll.u32 s8, $0x9;
	s7 =	sadd.s32 s0, s7;
	[dreg:$0x6] =	wrdreg s1  }
0x11: {  	s0 =	sadd.s32 s0, s23;
	s26 =	sadd.s32 s4, s25;
	s1 =	sadd.s32 s24, s4  }
0x12: {  	s4 =	simm.s32 $0x3;
	s23 =	simm.s32 $0x880;
	s24 =	simm.s32 $0x11A00  }
.Ltmp0:
0x13: {  	s25 =	simm.s32 $0x900;
	s6 =	simm.s32 $0x5;
	(pc) =	sbr.rel .LBB2_1-.Ltmp0, $4  }
0x14: {  	s22 =	sadd.s32 $0xA0, s7;
	s7 =	sadd.s32 $0x1E0, s0;
	s8 =	sadd.s32 $0x140, s0  }
0x15: {  	s0 =	sadd.s32 $0x1400, s26;
	s31 =	sadd.s32 s5, s1;
	[dreg:$0x5] =	wrdreg s22  }
0x16: {  	s5 =	simm.s32 $0xAA00;
	s26 =	simm.s32 $0x12A00;
	[dreg:$0x7] =	wrdreg s0  }
0x17: {  	[dreg:$0x8] =	wrdreg s31;
	s0 =	simm.s32 $0x2;
	s22 =	simm.s32 $0x10A00  }
.LBB2_3:
0x18: {  	[hbm4b:s31+s2] =	stream.linear.scatter [tilespmem:s5], [sflag:$0x6], $0xA000, $0x38;
	[tilespmem:$0x14A00] =	vst v63  }
.LBB2_5:
0x19: {  	s9 =	simm.s32 $0x6  }
0x1a: {  	_ =	swait.ge [sflag:s9], $0xA000  }
0x1b: {  	s10 =	rddreg [dreg:$0x9]  }
0x1c: {  	s1 =	rddreg [dreg:$0x6];
	s10 =	sadd.s32 $0x1, s10  }
0x1d: {  	p0 =	sne.s32 s10, s1  }
.Ltmp1:
0x1e: {  	_ = 	snop;
	(pc) =	sbr.rel @!p0 .LBB2_6-.Ltmp1, $3  }
0x1f: {  	_ =	sdelay $0x1  }
0x20: {  	[sflag:s9] =	ssyncset.done $0x0  }
0x21: {  	[sflag:s9] =	ssyncadd.s32 $0xFFFF6000  }
.LBB2_1:
0x22: {  	[dreg:$0x9] =	wrdreg s10  }
0x23: {  	s1 =	rddreg [dreg:$0x4]  }
0x24: {  	[tilespmem:s2], [sflag:$0x1] =	stream.linear.gather [hbm4b:s1+s2], $0x500, $0x38;
	[tilespmem:$0x14A00] =	vst v63  }
0x25: {  	s12 =	rddreg [dreg:$0x5];
	s9 =	simm.s32 $0x1  }
0x26: {  	[tilespmem:s11], [sflag:$0x2] =	stream.linear.gather [hbm4b:s12+s2], $0x500, $0x38;
	[tilespmem:$0x14A00] =	vst v63  }
0x27: {  	_ =	swait.ge [sflag:s9], $0x500  }
0x28: {  	[sflag:s9] =	ssyncset.done $0x0  }
0x29: {  	[sflag:s9] =	ssyncadd.s32 $0xFFFFFB00  }
0x2a: {  	[tilespmem:s14], [sflag:$0x3] =	stream.indirect.gather [hbm4b:s3+s13], $0x20, s2, s13, $0xb8;
	[tilespmem:$0x14A00] =	vst v63  }
0x2b: {  	s10 =	simm.s32 $0x1A00  }
0x2c: {  	[tilespmem:s10], [sflag:$0x3] =	stream.indirect.gather [hbm4b:s3+s13], $0x20, s13, s13, $0xb8;
	[tilespmem:$0x14A00] =	vst v63  }
0x2d: {  	s12 =	simm.s32 $0x100;
	s9 =	simm.s32 $0x2A00  }
0x2e: {  	[tilespmem:s9], [sflag:$0x3] =	stream.indirect.gather [hbm4b:s3+s13], $0x20, s12, s13, $0xb8;
	[tilespmem:$0x14A00] =	vst v63  }
0x2f: {  	s10 =	simm.s32 $0x180;
	s12 =	simm.s32 $0x3A00  }
0x30: {  	[tilespmem:s12], [sflag:$0x3] =	stream.indirect.gather [hbm4b:s3+s13], $0x20, s10, s13, $0xb8;
	[tilespmem:$0x14A00] =	vst v63  }
0x31: {  	s10 =	simm.s32 $0x200;
	s12 =	simm.s32 $0x4A00  }
0x32: {  	[tilespmem:s12], [sflag:$0x3] =	stream.indirect.gather [hbm4b:s3+s13], $0x20, s10, s13, $0xb8;
	[tilespmem:$0x14A00] =	vst v63  }
0x33: {  	s10 =	simm.s32 $0x280;
	s12 =	simm.s32 $0x5A00  }
0x34: {  	[tilespmem:s12], [sflag:$0x3] =	stream.indirect.gather [hbm4b:s3+s13], $0x20, s10, s13, $0xb8;
	[tilespmem:$0x14A00] =	vst v63  }
0x35: {  	s10 =	simm.s32 $0x300;
	s12 =	simm.s32 $0x6A00  }
0x36: {  	[tilespmem:s12], [sflag:$0x3] =	stream.indirect.gather [hbm4b:s3+s13], $0x20, s10, s13, $0xb8;
	[tilespmem:$0x14A00] =	vst v63  }
0x37: {  	s1 =	simm.s32 $0x0;
	s10 =	simm.s32 $0x380;
	s12 =	simm.s32 $0x7A00  }
0x38: {  	[tilespmem:s12], [sflag:$0x3] =	stream.indirect.gather [hbm4b:s3+s13], $0x20, s10, s13, $0xb8;
	[tilespmem:$0x14A00] =	vst v63  }
0x39: {  	s31 =	rddreg [dreg:$0x7];
	s10 =	simm.s32 $0x400;
	s12 =	simm.s32 $0x8A00  }
0x3a: {  	[tilespmem:s12], [sflag:$0x3] =	stream.indirect.gather [hbm4b:s3+s13], $0x20, s10, s13, $0xb8;
	[tilespmem:$0x14A00] =	vst v63  }
0x3b: {  	s9 =	rddreg [dreg:$0x8];
	s10 =	simm.s32 $0x480;
	s12 =	simm.s32 $0x9A00  }
0x3c: {  	[tilespmem:s12], [sflag:$0x3] =	stream.indirect.gather [hbm4b:s3+s13], $0x20, s10, s13, $0xb8;
	[tilespmem:$0x14A00] =	vst v63  }
.LBB2_2:
0x3d: {  	_ =	swait.ge [sflag:s0], $0x500  }
0x3e: {  	[sflag:s0] =	ssyncset.done $0x0  }
0x3f: {  	[sflag:s0] =	ssyncadd.s32 $0xFFFFFB00  }
0x40: {  	_ =	swait.ge [sflag:s4], $0x1000  }
0x41: {  	[sflag:s4] =	ssyncset.done $0x0  }
0x42: {  	[sflag:s4] =	ssyncadd.s32 $0xFFFFF000  }
0x43: {  	_ =	swait.ge [sflag:s4], $0x1000  }
0x44: {  	[sflag:s4] =	ssyncset.done $0x0  }
0x45: {  	[sflag:s4] =	ssyncadd.s32 $0xFFFFF000  }
0x46: {  	_ =	swait.ge [sflag:s4], $0x1000  }
0x47: {  	[sflag:s4] =	ssyncset.done $0x0  }
0x48: {  	[sflag:s4] =	ssyncadd.s32 $0xFFFFF000  }
0x49: {  	_ =	swait.ge [sflag:s4], $0x1000  }
0x4a: {  	[sflag:s4] =	ssyncset.done $0x0  }
0x4b: {  	[sflag:s4] =	ssyncadd.s32 $0xFFFFF000  }
0x4c: {  	_ =	swait.ge [sflag:s4], $0x1000  }
0x4d: {  	[sflag:s4] =	ssyncset.done $0x0  }
0x4e: {  	[sflag:s4] =	ssyncadd.s32 $0xFFFFF000  }
0x4f: {  	_ =	swait.ge [sflag:s4], $0x1000  }
0x50: {  	[sflag:s4] =	ssyncset.done $0x0  }
0x51: {  	[sflag:s4] =	ssyncadd.s32 $0xFFFFF000  }
0x52: {  	_ =	swait.ge [sflag:s4], $0x1000  }
0x53: {  	[sflag:s4] =	ssyncset.done $0x0  }
0x54: {  	[sflag:s4] =	ssyncadd.s32 $0xFFFFF000  }
0x55: {  	_ =	swait.ge [sflag:s4], $0x1000  }
0x56: {  	[sflag:s4] =	ssyncset.done $0x0  }
0x57: {  	[sflag:s4] =	ssyncadd.s32 $0xFFFFF000  }
0x58: {  	_ =	swait.ge [sflag:s4], $0x1000  }
0x59: {  	[sflag:s4] =	ssyncset.done $0x0  }
0x5a: {  	[sflag:s4] =	ssyncadd.s32 $0xFFFFF000  }
0x5b: {  	_ =	swait.ge [sflag:s4], $0x1000  }
0x5c: {  	p0 =	seq.s32 s1, $0x0;
	[sflag:s4] =	ssyncset.done $0x0  }
0x5d: {  	s10 =	simm.s32 @!p0 $0x6;
	[sflag:s4] =	ssyncadd.s32 $0xFFFFF000  }
0x5e: {  	_ =	swait.ge @!p0 [sflag:s10], $0xA000  }
0x5f: {  	[sflag:s10] =	ssyncset.done @!p0 $0x0  }
0x60: {  	[sflag:s10] =	ssyncadd.s32 @!p0 $0xFFFF6000  }
0x61: {  	[tilespmem:s5], [sflag:$0x4] =	stream.indirect.gather [hbm4b:s3+s13], $0x20, s11, s13, $0xb8;
	[tilespmem:$0x14A00] =	vst v63  }
0x62: {  	s12 =	simm.s32 $0xBA00;
	s10 =	simm.s32 $0x580  }
0x63: {  	[tilespmem:s12], [sflag:$0x4] =	stream.indirect.gather [hbm4b:s3+s13], $0x20, s10, s13, $0xb8;
	[tilespmem:$0x14A00] =	vst v63  }
0x64: {  	s10 =	simm.s32 $0x600;
	s12 =	simm.s32 $0xCA00  }
0x65: {  	[tilespmem:s12], [sflag:$0x4] =	stream.indirect.gather [hbm4b:s3+s13], $0x20, s10, s13, $0xb8;
	[tilespmem:$0x14A00] =	vst v63  }
0x66: {  	_ = 	snop  }
0x67: {  	[tilespmem:s16], [sflag:$0x4] =	stream.indirect.gather [hbm4b:s3+s13], $0x20, s15, s13, $0xb8;
	[tilespmem:$0x14A00] =	vst v63  }
0x68: {  	_ = 	snop  }
0x69: {  	[tilespmem:s18], [sflag:$0x4] =	stream.indirect.gather [hbm4b:s3+s13], $0x20, s17, s13, $0xb8;
	[tilespmem:$0x14A00] =	vst v63  }
0x6a: {  	_ = 	snop  }
0x6b: {  	[tilespmem:s20], [sflag:$0x4] =	stream.indirect.gather [hbm4b:s3+s13], $0x20, s19, s13, $0xb8;
	[tilespmem:$0x14A00] =	vst v63  }
0x6c: {  	_ = 	snop  }
0x6d: {  	[tilespmem:s22], [sflag:$0x4] =	stream.indirect.gather [hbm4b:s3+s13], $0x20, s21, s13, $0xb8;
	[tilespmem:$0x14A00] =	vst v63  }
0x6e: {  	_ = 	snop  }
0x6f: {  	[tilespmem:s24], [sflag:$0x4] =	stream.indirect.gather [hbm4b:s3+s13], $0x20, s23, s13, $0xb8;
	[tilespmem:$0x14A00] =	vst v63  }
0x70: {  	_ = 	snop  }
0x71: {  	[tilespmem:s26], [sflag:$0x4] =	stream.indirect.gather [hbm4b:s3+s13], $0x20, s25, s13, $0xb8;
	[tilespmem:$0x14A00] =	vst v63  }
0x72: {  	_ = 	snop  }
0x73: {  	[tilespmem:s29], [sflag:$0x4] =	stream.indirect.gather [hbm4b:s3+s13], $0x20, s28, s13, $0xb8;
	[tilespmem:$0x14A00] =	vst v63  }
0x74: {  	p0 =	seq.s32 s1, $0xB40  }
0x75: {  	[hbm4b:s9+s2] =	stream.linear.scatter [tilespmem:s14], [sflag:$0x5], $0xA000, $0x38;
	[tilespmem:$0x14A00] =	vst v63  }
0x76: {  	s10 =	sadd.s32 @!p0 s1, s8;
	s12 =	simm.s32 @!p0 $0x0  }
0x77: {  	[tilespmem:s12], [sflag:$0x1] =	stream.linear.gather @!p0 [hbm4b:s10+s12], $0x500, $0x38;
	[tilespmem:$0x14A00] =	vst v63  }
0x78: {  	s10 =	simm.s32 @!p0 $0x1  }
0x79: {  	_ =	swait.ge @!p0 [sflag:s10], $0x500  }
0x7a: {  	[sflag:s10] =	ssyncset.done @!p0 $0x0  }
0x7b: {  	[sflag:s10] =	ssyncadd.s32 @!p0 $0xFFFFFB00  }
0x7c: {  	_ =	swait.ge [sflag:s30], $0x1000  }
0x7d: {  	[sflag:s30] =	ssyncset.done $0x0  }
0x7e: {  	[sflag:s30] =	ssyncadd.s32 $0xFFFFF000  }
0x7f: {  	_ =	swait.ge [sflag:s30], $0x1000  }
0x80: {  	[sflag:s30] =	ssyncset.done $0x0  }
0x81: {  	[sflag:s30] =	ssyncadd.s32 $0xFFFFF000  }
0x82: {  	_ =	swait.ge [sflag:s30], $0x1000  }
0x83: {  	[sflag:s30] =	ssyncset.done $0x0  }
0x84: {  	[sflag:s30] =	ssyncadd.s32 $0xFFFFF000  }
0x85: {  	_ =	swait.ge [sflag:s30], $0x1000  }
0x86: {  	[sflag:s30] =	ssyncset.done $0x0  }
0x87: {  	[sflag:s30] =	ssyncadd.s32 $0xFFFFF000  }
0x88: {  	_ =	swait.ge [sflag:s30], $0x1000  }
0x89: {  	[sflag:s30] =	ssyncset.done $0x0  }
0x8a: {  	[sflag:s30] =	ssyncadd.s32 $0xFFFFF000  }
0x8b: {  	_ =	swait.ge [sflag:s30], $0x1000  }
0x8c: {  	[sflag:s30] =	ssyncset.done $0x0  }
0x8d: {  	[sflag:s30] =	ssyncadd.s32 $0xFFFFF000  }
0x8e: {  	_ =	swait.ge [sflag:s30], $0x1000  }
0x8f: {  	[sflag:s30] =	ssyncset.done $0x0  }
0x90: {  	[sflag:s30] =	ssyncadd.s32 $0xFFFFF000  }
0x91: {  	_ =	swait.ge [sflag:s30], $0x1000  }
0x92: {  	[sflag:s30] =	ssyncset.done $0x0  }
0x93: {  	[sflag:s30] =	ssyncadd.s32 $0xFFFFF000  }
0x94: {  	_ =	swait.ge [sflag:s30], $0x1000  }
0x95: {  	[sflag:s30] =	ssyncset.done $0x0  }
0x96: {  	[sflag:s30] =	ssyncadd.s32 $0xFFFFF000  }
0x97: {  	p0 =	sne.s32 s1, $0xB40;
	_ =	swait.ge [sflag:s30], $0x1000  }
.Ltmp2:
0x98: {  	[sflag:s30] =	ssyncset.done $0x0;
	(pc) =	sbr.rel @!p0 .LBB2_3-.Ltmp2, $4  }
0x99: {  	[sflag:s30] =	ssyncadd.s32 $0xFFFFF000  }
0x9a: {  	_ =	swait.ge [sflag:s6], $0xA000  }
0x9b: {  	[sflag:s6] =	ssyncset.done $0x0  }
0x9c: {  	[sflag:s6] =	ssyncadd.s32 $0xFFFF6000  }
0x9d: {  	[tilespmem:s14], [sflag:$0x3] =	stream.indirect.gather [hbm4b:s3+s13], $0x20, s2, s13, $0xb8;
	[tilespmem:$0x14A00] =	vst v63  }
0x9e: {  	s10 =	simm.s32 $0x1A00  }
0x9f: {  	[tilespmem:s10], [sflag:$0x3] =	stream.indirect.gather [hbm4b:s3+s13], $0x20, s13, s13, $0xb8;
	[tilespmem:$0x14A00] =	vst v63  }
0xa0: {  	s12 =	simm.s32 $0x2A00;
	s10 =	simm.s32 $0x100  }
0xa1: {  	[tilespmem:s12], [sflag:$0x3] =	stream.indirect.gather [hbm4b:s3+s13], $0x20, s10, s13, $0xb8;
	[tilespmem:$0x14A00] =	vst v63  }
0xa2: {  	s10 =	simm.s32 $0x180;
	s12 =	simm.s32 $0x3A00  }
0xa3: {  	[tilespmem:s12], [sflag:$0x3] =	stream.indirect.gather [hbm4b:s3+s13], $0x20, s10, s13, $0xb8;
	[tilespmem:$0x14A00] =	vst v63  }
0xa4: {  	s10 =	simm.s32 $0x200;
	s12 =	simm.s32 $0x4A00  }
0xa5: {  	[tilespmem:s12], [sflag:$0x3] =	stream.indirect.gather [hbm4b:s3+s13], $0x20, s10, s13, $0xb8;
	[tilespmem:$0x14A00] =	vst v63  }
0xa6: {  	s10 =	simm.s32 $0x280;
	s12 =	simm.s32 $0x5A00  }
0xa7: {  	[tilespmem:s12], [sflag:$0x3] =	stream.indirect.gather [hbm4b:s3+s13], $0x20, s10, s13, $0xb8;
	[tilespmem:$0x14A00] =	vst v63  }
0xa8: {  	s10 =	simm.s32 $0x300;
	s12 =	simm.s32 $0x6A00  }
0xa9: {  	[tilespmem:s12], [sflag:$0x3] =	stream.indirect.gather [hbm4b:s3+s13], $0x20, s10, s13, $0xb8;
	[tilespmem:$0x14A00] =	vst v63  }
0xaa: {  	s10 =	simm.s32 $0x380;
	s12 =	simm.s32 $0x7A00  }
0xab: {  	[tilespmem:s12], [sflag:$0x3] =	stream.indirect.gather [hbm4b:s3+s13], $0x20, s10, s13, $0xb8;
	[tilespmem:$0x14A00] =	vst v63  }
0xac: {  	s10 =	simm.s32 $0x400;
	s12 =	simm.s32 $0x8A00  }
0xad: {  	[tilespmem:s12], [sflag:$0x3] =	stream.indirect.gather [hbm4b:s3+s13], $0x20, s10, s13, $0xb8;
	[tilespmem:$0x14A00] =	vst v63  }
0xae: {  	s10 =	simm.s32 $0x480;
	s12 =	simm.s32 $0x9A00  }
0xaf: {  	[tilespmem:s12], [sflag:$0x3] =	stream.indirect.gather [hbm4b:s3+s13], $0x20, s10, s13, $0xb8;
	[tilespmem:$0x14A00] =	vst v63  }
0xb0: {  	s12 =	sadd.s32 s1, s7;
	s1 =	sadd.s32 $0x140, s1  }
0xb1: {  	p0 =	sne.s32 s1, $0xC80  }
.Ltmp3:
0xb2: {  	_ = 	snop;
	(pc) =	sbr.rel @p0 .LBB2_2-.Ltmp3, $4  }
.Ltmp4:
0xb3: {  	_ = 	snop;
	(pc) =	sbr.rel @!p0 .LBB2_5-.Ltmp4, $4  }
0xb4: {  	[hbm4b:s31+s2] =	stream.linear.scatter [tilespmem:s5], [sflag:$0x6], $0xA000, $0x38;
	[tilespmem:$0x14A00] =	vst v63  }
0xb5: {  	s9 =	sadd.s32 $0x2800, s9;
	s31 =	sadd.s32 $0x2800, s31  }
0xb6: {  	[tilespmem:s11], [sflag:$0x2] =	stream.linear.gather [hbm4b:s12+s2], $0x500, $0x38;
	[tilespmem:$0x14A00] =	vst v63  }
0xb7: {  	_ = 	snop  }
.LBB2_6:
0xb8: {  	_ =	sfence.sel $0x180000  }
0xb9: {  	[bflag:$0x0] =	sbarrier.arrive $0xFFFF  }
0xba: {  	_ =	strace $0x90000047  }
0xbb: {  	s0 =	stileid.u32;
	[bflag:$0x2] =	sbarrier.arrive $0xFFFF  }
0xbc: {  	p0 =	sne.s32 s0, $0x0;
	s0 =	rddreg [dreg:$0x3]  }
0xbd: {  	s0 =	sadd.s32 @!p0 $0x100000, s0  }
0xbe: {  	[sflag:s0] =	ssyncadd.tile.s32 @!p0 $0x1;
	_ =	shalt  }
.Lfunc_end2:
_tile_overlayer_lowered:
.L_overlay_start_2:
0xbf: {  	(tag) =	ssettag $0x2  }
0xc0: {  	s0 =	rddreg [dreg:$0x0];
	s2 =	stileid.u32  }
0xc1: {  	s1 =	rddreg [dreg:$0x1];
	p0 =	sne.s32 s2, $0x0  }
0xc2: {  	s3 =	rddreg [dreg:$0x2];
	[bflag:$0x3] =	sbarrier.arrive $0xFFFF;
	s2 =	simm.s32 @!p0 $0x1C07  }
0xc3: {  	[timem:s3], [sflag:s2] =	dma.local @!p0 [hbm:s0], s1  }
0xc4: {  	s0 =	simm.s32 @!p0 $0x7  }
0xc5: {  	_ =	swait.ge @!p0 [sflag:s0], s1  }
0xc6: {  	s1 =	ssub.s32 @!p0 $0x0, s1;
	[sflag:s0] =	ssyncset.done @!p0 $0x0  }
0xc7: {  	[sflag:s0] =	ssyncadd.s32 @!p0 s1  }
0xc8: {  	[bflag:$0x3] =	sbarrier.arrive $0xFFFF  }
0xc9: {  	_ =	shalt  }

// kernel: sparse-core-data-format-call.cloned.1.call-start
scs
called_computation_lowered:
.L_overlay_start_0:
0x0: {  	s2 =	sld [smem:$0x3FD9]  }
0x1: {  	s3 =	sld [smem:$0x3FFE];
	_ =	sdelay $0x1  }
0x2: {  	s1 =	srdreg.scid  }
0x3: {  	s0 =	sand.u32 $0x1, s1  }
0x4: {  	s18 =	sshll.u32 s0, $0xA;
	s2 =	sadd.s32 s3, s2  }
0x5: {  	s2 =	sadd.s32 s2, s18  }
0x6: {  	[smem:$0x3FC6] =	sst s2  }
0x7: {  	_ = 	snop  }
0x8: {  	s2 =	sld [smem:$0x3FD0];
	(tm) =	ssettm $0x1  }
0x9: {  	s19 =	sld [smem:$0x3FFB];
	_ =	sdelay $0x3  }
0xa: {  	_ =	strace s19  }
0xb: {  	s3 =	sld [smem:$0x3FFC];
	_ =	sdelay $0x3  }
0xc: {  	_ =	strace s3  }
0xd: {  	s3 =	sld [smem:$0x3FFD];
	_ =	sdelay $0x3  }
0xe: {  	_ =	strace s3  }
0xf: {  	_ =	strace $0x8FFFFFFF  }
0x10: {  	s20 =	sld [smem:$0x3FDB];
	_ =	sdelay $0x1  }
0x11: {  	s4 =	simm.s32 $_scs_section_size  }
0x12: {  	s5 =	simm.s32 $_size__tile_overlayer_lowered;
	s6 =	simm.s32 $_tile_overlayer_lowered  }
0x13: {  	s23 =	simm.s32 $0x1BFF;
	s22 =	sshll.u32 s6, $0x1;
	s3 =	sadd.s32 s4, s20  }
0x14: {  	s7 =	simm.s32 $0x0;
	s21 =	sshll.u32 s5, $0x1;
	s5 =	sadd.s32 s22, s3  }
0x15: {  	[timem:s7], [sflag:s23] =	dma.local [hbm:s5], s21  }
0x16: {  	_ =	swait.ge [sflag:s23], s21  }
0x17: {  	s4 =	ssub.s32 $0x0, s21;
	[sflag:s23] =	ssyncset.done $0x0  }
0x18: {  	[sflag:s23] =	ssyncadd.s32 s4;
	_ =	sdelay $0x1  }
0x19: {  	s24 =	simm.s32 $0x1B8B  }
0x1a: {  	_ =	swait.ge [sflag:s24], $0x1  }
0x1b: {  	[sflag:s24] =	ssyncset.done $0x0  }
0x1c: {  	s26 =	simm.s32 $0x1B8E;
	s25 =	sld [smem:$0x3FFE];
	[sflag:s24] =	ssyncadd.s32 $0xFFFFFFFF  }
0x1d: {  	s27 =	simm.s32 $execute0_lowered;
	[smem:$0x3FD2] =	sst s26  }
0x1e: {  	s5 =	sshll.u32 s27, $0x1;
	_ =	strace $0x80000049;
	[dreg:$0x1] =	wrdreg $0xFFFFFFFF  }
0x1f: {  	s28 =	simm.s32 $_size_execute0_lowered;
	s3 =	sadd.s32 s3, s5;
	[dreg:$0x0] =	wrdreg $0x0  }
0x20: {  	s5 =	sshll.u32 s28, $0x1;
	[dreg:$0x2] =	wrdreg s3  }
0x21: {  	[dreg:$0x3] =	wrdreg s5  }
0x22: {  	[dreg:$0x4] =	wrdreg $0xC0  }
0x23: {  	_ =	task [dreg:s7], $0x5FFFF  }
0x24: {  	[dreg:$0x1] =	wrdreg $0xFFFFFFFF  }
0x25: {  	[dreg:$0x0] =	wrdreg $0x60  }
0x26: {  	[dreg:$0x2] =	wrdreg s25  }
0x27: {  	[dreg:$0x3] =	wrdreg s2  }
0x28: {  	[dreg:$0x4] =	wrdreg $0x9  }
0x29: {  	_ =	task.clear_ibuf [dreg:s7], $0x5FFFF;
	_ =	strace $0x90000049  }
0x2a: {  	s29 =	simm.s32 $0x9;
	_ =	strace $0x8000004B  }
0x2b: {  	_ =	swait.ge [sflag:s29], $0x1  }
0x2c: {  	[sflag:s29] =	ssyncadd.s32 $0xFFFFFFFF  }
0x2d: {  	_ =	strace $0x9000004B  }
0x2e: {  	_ =	sfence  }
0x2f: {  	s30 =	sld [smem:$0x0];
	_ =	sdelay $0x2  }
0x30: {  	s31 =	sshll.u32 s1, $0xD;
	s1 =	sshrl.u32 s1, $0x2  }
0x31: {  	s3 =	sand.u32 $0x4000, s31;
	s1 =	sadd.s32 s1, s30  }
0x32: {  	s0 =	sor.u32 s3, s0;
	s1 =	sshll.u32 s1, $0x11  }
0x33: {  	s0 =	sor.u32 s1, s0  }
0x34: {  	s0 =	sadd.s32 $0x8F2B, s0  }
0x35: {  	[sflag:s0] =	ssyncadd.remote.s32 $0x1  }
0x36: {  	_ =	sfence.sel $0xFFFF  }
0x37: {  	[dreg:$0x0] =	wrdreg $0xFFFFFFFF;
	(pc) =	sbr.abs _section_cstart, $3  }
0x38: {  	[dreg:$0x1] =	wrdreg $0xFFFFFFFF  }
0x39: {  	_ =	task.clear_ibuf [dreg:s7], $0x2FFFF;
	_ =	strace $0x9FFFFFFF  }
0x3a: {  	(tm) =	ssettm $0x7FFFFFFF  }
0x3b: {  	_ =	shalt  }
tec
execute0_lowered:
.L_overlay_start_1:
0x0: {  	(tag) =	ssettag $0x1  }
0x1: {  	s0 =	srdreg.scid  }
0x2: {  	s1 =	sshll.u32 s0, $0x4  }
0x3: {  	s4 =	rddreg [dreg:$0x0];
	s0 =	stileid.u32;
	s1 =	sand.u32 $0x10, s1  }
0x4: {  	s2 =	rddreg [dreg:$0x1];
	s7 =	simm.s32 $0x1;
	s1 =	sor.u32 s0, s1  }
0x5: {  	s8 =	simm.s32 $0x2;
	s11 =	simm.s32 $0x0;
	s3 =	sshll.u32 s1, $0x7  }
0x6: {  	s10 =	simm.s32 $0x0;
	s4 =	sadd.s32 $0x800, s4;
	s6 =	ssub.s32 $0xC8000, s3  }
.Ltmp0:
0x7: {  	s1 =	rddreg [dreg:$0x2];
	s5 =	sand.u32 $0xF80, s6;
	(pc) =	sbr.rel .LBB1_1-.Ltmp0, $4  }
0x8: {  	_ =	strace $0x8000004A;
	s9 =	smov.u32 s3;
	p0 =	sne.s32 s5, $0x0  }
0x9: {  	s6 =	sshrl.u32 s6, $0xC;
	s5 =	simm.s32 $0x1;
	s7 =	simm.s32 @!p0 $0x0  }
0xa: {  	[sflag:s5] =	ssyncpa.u1 $0x0;
	p0 =	por $0x0, $0x0;
	s6 =	sadd.s32 s7, s6  }
0xb: {  	[sflag:s8] =	ssyncpa.u1 $0x0;
	s8 =	simm.s32 $0x640000;
	s7 =	sadd.s32 $0x1, s6  }
.LBB1_4:
0xc: {  	s14 =	sshll.u32 s11, $0x3  }
0xd: {  	s30 =	sand.u32 $0x7F, s11;
	s15 =	sand.u32 $0xFFFFFC00, s14  }
0xe: {  	s11 =	sor.u32 s30, s15  }
0xf: {  	s15 =	smulhi.u32 $0x51EB851F, s11  }
0x10: {  	s14 =	smulhi.u32 $0x51EB851F, s14  }
0x11: {  	s15 =	sshrl.u32 s15, $0x12  }
0x12: {  	s14 =	sshrl.u32 s14, $0x12;
	s15 =	smul.u32 $0xC8000, s15  }
0x13: {  	s14 =	sand.u32 $0x1F, s14  }
0x14: {  	s14 =	smul.u32 $0x19000, s14;
	s11 =	ssub.s32 s11, s15  }
0x15: {  	s15 =	sand.u32 $0x7, s11  }
0x16: {  	s14 =	sadd.s32 s2, s14;
	s11 =	sshrl.u32 s11, $0x3;
	s15 =	sshll.u32 s15, $0x12  }
0x17: {  	[tilespmem:s13+$0x0 ss:$0x81] =	vst.msk $0xffff, v0;
	s11 =	sadd.s32 s11, s14;
	s31 =	sor.u32 $0x400, s15  }
0x18: {  	[hbm4b:s11+s31] =	stream.strided.scatter [tilespmem:s12], [sflag:$0x2], $0x1000, s8, s31, $0x20;
	[tilespmem:$0x4040] =	vst v63  }
.LBB1_5:
0x19: {  	s13 =	sadd.s32 $0x1000, s9  }
0x1a: {  	p2 =	sgt.s32 s13, $0xC7FFF  }
0x1b: {  	s13 =	smov.u32 @p2 s3;
	p2 =	sne.s32 s10, s7  }
.Ltmp1:
0x1c: {  	p1 =	slt.u32 s10, $0x2;
	(pc) =	sbr.rel @!p2 .LBB1_6-.Ltmp1, $4  }
0x1d: {  	s12 =	simm.s32 @!p1 $0x2  }
0x1e: {  	s14 =	sadd.s32 $0x1, s10;
	_ =	swait.ge @!p1 [sflag:s12], $0x1000  }
0x1f: {  	s11 =	smov.u32 s9;
	p0 =	por !p0, !p0;
	[sflag:s12] =	ssyncset.done @!p1 $0x0  }
0x20: {  	s10 =	smov.u32 s14;
	s9 =	smov.u32 s13;
	[sflag:s12] =	ssyncadd.s32 @!p1 $0xFFFFF000  }
.LBB1_1:
0x21: {  	p1 =	sge.u32 s10, s6  }
0x22: {  	s12 =	sand.u32 @!p1 $0x1FFFFFF, s9  }
0x23: {  	s13 =	smulhi.u32 @!p1 $0x147AE15, s12;
	_ =	sdelay $0x1  }
0x24: {  	s13 =	sshrl.u32 @!p1 s13, $0xC  }
0x25: {  	s13 =	smul.u32 @!p1 $0xC8000, s13;
	_ =	sdelay $0x1  }
0x26: {  	s31 =	sadd.s32 $0xFFFFFFFF, s10;
	s14 =	sxor.u32 @!p1 $0xFFFFFFFF, s10;
	s12 =	ssub.s32 @!p1 s12, s13  }
0x27: {  	s15 =	simm.s32 @!p1 $0x80;
	s14 =	sshll.u32 @!p1 s14, $0xC;
	s12 =	sshll.u32 @!p1 s12, $0x4  }
0x28: {  	s13 =	sand.u32 @!p1 $0x1000, s14;
	s14 =	simm.s32 @!p1 $0x20;
	s12 =	sadd.s32 @!p1 s4, s12  }
0x29: {  	[tilespmem:s13], [sflag:$0x1] =	stream.strided.gather @!p1 [hbm4b:s12+s14], $0x1000, s15, s14, $0x38;
	[tilespmem:$0x4040] =	vst v63  }
0x2a: {  	p1 =	sge.u32 s31, s6  }
.Ltmp2:
0x2b: {  	_ = 	snop;
	(pc) =	sbr.rel @p1 .LBB1_5-.Ltmp2, $1  }
0x2c: {  	_ =	sdelay $0x3  }
0x2d: {  	s12 =	simm.s32 $0x1  }
0x2e: {  	_ =	swait.ge [sflag:s5], $0x1000;
	s12 =	simm.s32 @!p0 $0x0  }
0x2f: {  	[sflag:s5] =	ssyncset.done $0x0;
	s13 =	sshll.u32 s12, $0xC  }
0x30: {  	[sflag:s5] =	ssyncadd.s32 $0xFFFFF000;
	s16 =	sor.u32 $0x10, s13  }
0x31: {  	s12 =	smul.u32 $0x4080, s12;
	v1 =	vld [tilespmem:s16+$0x0]  }
0x32: {  	s30 =	sand.u32 $0x1, s10;
	v0 =	vld [tilespmem:s16+$0xFFFFFFF0]  }
0x33: {  	s13 =	smul.u32 $0x4080, s30;
	s12 =	sshrl.u32 s12, $0x2  }
0x34: {  	s14 =	sor.u32 $0x2000, s12  }
0x35: {  	s31 =	sshrl.u32 s13, $0x2;
	s13 =	sadd.s32 $0x0, s14  }
0x36: {  	s15 =	simm.s32 $0x4;
	s16 =	sadd.s32 $0x20, s16;
	s12 =	sor.u32 $0x2000, s31;
	[tilespmem:s13+$0x810 ss:$0x81] =	vst.msk $0xffff, v1  }
.LBB1_3:
0x37: {  	v1 =	vld [tilespmem:s16+$0x0];
	p1 =	sne.s32 s15, $0x1FC;
	[tilespmem:s13+$0x0 ss:$0x81] =	vst.msk $0xffff, v0;
	s13 =	smov.u32 s15;
	s15 =	sadd.s32 $0x4, s15  }
.Ltmp3:
0x38: {  	v0 =	vld [tilespmem:s16+$0xFFFFFFF0];
	(pc) =	sbr.rel @p1 .LBB1_3-.Ltmp3, $4  }
0x39: {  	_ = 	snop  }
0x3a: {  	s13 =	sshra.s32 s13, $0x2  }
0x3b: {  	s13 =	sadd.s32 s13, s14  }
0x3c: {  	s16 =	sadd.s32 $0x20, s16;
	[tilespmem:s13+$0x810 ss:$0x81] =	vst.msk $0xffff, v1  }
.Ltmp4:
0x3d: {  	_ = 	snop;
	(pc) =	sbr.rel .LBB1_4-.Ltmp4, $1  }
0x3e: {  	_ =	sdelay $0x3  }
.LBB1_6:
0x3f: {  	_ =	sfence.sel $0x180000  }
0x40: {  	s2 =	simm.s32 $0x1;
	[bflag:$0x0] =	sbarrier.arrive $0xFFFF  }
0x41: {  	s31 =	simm.s32 $0x2;
	[sflag:s2] =	ssyncpa.u1 $0x1  }
0x42: {  	[sflag:s31] =	ssyncpa.u1 $0x1  }
0x43: {  	p0 =	sne.s32 s0, $0x0;
	_ =	strace $0x9000004A  }
0x44: {  	s0 =	sadd.s32 @!p0 $0x100000, s1;
	[bflag:$0x2] =	sbarrier.arrive $0xFFFF  }
0x45: {  	[sflag:s0] =	ssyncadd.tile.s32 @!p0 $0x1;
	_ =	shalt  }
.Lfunc_end1:
_tile_overlayer_lowered:
.L_overlay_start_2:
0x46: {  	(tag) =	ssettag $0x2  }
0x47: {  	s0 =	rddreg [dreg:$0x0];
	s2 =	stileid.u32  }
0x48: {  	s1 =	rddreg [dreg:$0x1];
	p0 =	sne.s32 s2, $0x0  }
0x49: {  	s3 =	rddreg [dreg:$0x2];
	[bflag:$0x3] =	sbarrier.arrive $0xFFFF;
	s2 =	simm.s32 @!p0 $0x1C01  }
0x4a: {  	[timem:s3], [sflag:s2] =	dma.local @!p0 [hbm:s0], s1  }
0x4b: {  	s0 =	simm.s32 @!p0 $0x1  }
0x4c: {  	_ =	swait.ge @!p0 [sflag:s0], s1  }
0x4d: {  	s1 =	ssub.s32 @!p0 $0x0, s1;
	[sflag:s0] =	ssyncset.done @!p0 $0x0  }
0x4e: {  	[sflag:s0] =	ssyncadd.s32 @!p0 s1  }
0x4f: {  	[bflag:$0x3] =	sbarrier.arrive $0xFFFF  }
0x50: {  	_ =	shalt  }

</sc_bundles>
